<compile_context>
chip_gen: v7x
topology: tpu7x:2x2x1
jax: 0.10.2.dev20260603
libtpu: 0.0.44.dev20260713+nightly
codegen_flags: <defaults>
</compile_context>

<pallas_src>
import functools

import jax
import jax.numpy as jnp
from jax import lax
from jax.experimental import pallas as pl
from jax.experimental.pallas import tpu as pltpu
from jax.experimental.pallas import tpu_sc as plsc

N_NODES = 10000
N_EDGES = 320000
D_NODE = 128
D_EDGE = 16
D_OUT = 128

NPAD = 10112
CH = 128
NC = 2
NS = 16
NW = NC * NS
CPT = 80
NCHUNK = NW * CPT
EPAD = NCHUNK * CH
RPT = NPAD // NS


def _sc_body(idxall_h, node_x_h, edge_x_h,
             accn_out, acce_out,
             ix0, ix1, ix2, ix3, rows0, rows1, erows0, erows1,
             acc_n, acc_e,
             isem0, isem1, isem2, isem3,
             gn0, gn1, ge0, ge1, sn0, sn1, se0, se1):
    cid = lax.axis_index("c")
    sid = lax.axis_index("s")
    w = sid * NC + cid
    nreal = (_NREAL // NW) + jnp.where(w < _NREAL % NW, 1, 0)
    rstart = (_NREAL // NW) * w + jnp.minimum(w, _NREAL % NW)
    doff = 2 * w - jnp.minimum(w, _NREAL % NW)

    def _src(j):
        return jnp.where(j < nreal, rstart + j, _NREAL + doff + (j - nreal))

    idx = (ix0, ix1, ix2, ix3)
    rows = (rows0, rows1)
    erows = (erows0, erows1)
    isem = (isem0, isem1, isem2, isem3)
    gsem = (gn0, gn1)
    gesem = (ge0, ge1)
    ssem = (sn0, sn1)
    sesem = (se0, se1)

    _ZERO16 = jnp.zeros((16,), jnp.float32)

    def _zero_rows(i, _):
        for k in range(D_NODE // 16):
            rows0[i, pl.ds(k * 16, 16)] = _ZERO16
        erows0[i, pl.ds(0, 16)] = _ZERO16
        return 0
    lax.fori_loop(0, CH, _zero_rows, 0)
    base = sid * RPT
    zt = RPT - 4 * CH
    for j in range(4):
        pltpu.async_copy(rows0, acc_n.at[pl.ds(base + j * CH, CH)], gn1)
        pltpu.async_copy(erows0, acc_e.at[pl.ds(base + j * CH, CH)], ge1)
    pltpu.async_copy(rows0.at[pl.ds(0, zt)],
                     acc_n.at[pl.ds(base + 4 * CH, zt)], gn1)
    pltpu.async_copy(erows0.at[pl.ds(0, zt)],
                     acc_e.at[pl.ds(base + 4 * CH, zt)], ge1)

    def _idx_issue(j, k):
        pltpu.async_copy(idxall_h.at[_src(j)], idx[k], isem[k])

    def _idx_wait(j, k):
        pltpu.make_async_copy(idxall_h.at[_src(j)], idx[k], isem[k]).wait()

    def _gissue(k, p):
        pltpu.async_copy(node_x_h.at[idx[k].at[0]], rows[p], gsem[p])
        pltpu.async_copy(edge_x_h.at[idx[k].at[2]], erows[p], gesem[p])

    def _gwait(k, p):
        pltpu.make_async_copy(node_x_h.at[idx[k].at[0]], rows[p],
                              gsem[p]).wait()
        pltpu.make_async_copy(edge_x_h.at[idx[k].at[2]], erows[p],
                              gesem[p]).wait()

    def _sissue(k, p):
        pltpu.async_copy(rows[p], acc_n.at[idx[k].at[1]], ssem[p], add=True)
        pltpu.async_copy(erows[p], acc_e.at[idx[k].at[3]], sesem[p], add=True)

    def _swait(k, p):
        pltpu.make_async_copy(rows[p], acc_n.at[idx[k].at[1]],
                              ssem[p]).wait()
        pltpu.make_async_copy(erows[p], acc_e.at[idx[k].at[3]],
                              sesem[p]).wait()

    _idx_issue(0, 0)
    _idx_issue(1, 1)
    for j in range(4):
        pltpu.make_async_copy(rows0, acc_n.at[pl.ds(base + j * CH, CH)],
                              gn1).wait()
        pltpu.make_async_copy(erows0, acc_e.at[pl.ds(base + j * CH, CH)],
                              ge1).wait()
    pltpu.make_async_copy(rows0.at[pl.ds(0, zt)],
                          acc_n.at[pl.ds(base + 4 * CH, zt)], gn1).wait()
    pltpu.make_async_copy(erows0.at[pl.ds(0, zt)],
                          acc_e.at[pl.ds(base + 4 * CH, zt)], ge1).wait()
    _idx_wait(0, 0)
    _gissue(0, 0)
    plsc.subcore_barrier()

    def _outer(i, carry):
        for b in range(4):
            j = 4 * i + b
            p = b % 2
            _gwait(b, p)
            _sissue(b, p)
            @pl.when(j + 1 < CPT)
            def _():
                _idx_wait(j + 1, (b + 1) % 4)

                @pl.when(j >= 1)
                def _():
                    _swait((b + 3) % 4, 1 - p)
                _gissue((b + 1) % 4, 1 - p)
            @pl.when(j + 2 < CPT)
            def _():
                _idx_issue(j + 2, (b + 2) % 4)
        return carry

    lax.fori_loop(0, CPT // 4, _outer, 0)
    _swait(2, 0)
    _swait(3, 1)
    plsc.subcore_barrier()

    f1 = pltpu.async_copy(acc_n.at[pl.ds(base, RPT)],
                          accn_out.at[cid, pl.ds(base, RPT)], gn0)
    f2 = pltpu.async_copy(acc_e.at[pl.ds(base, RPT)],
                          acce_out.at[cid, pl.ds(base, RPT)], ge0)
    f1.wait()
    f2.wait()


_sc_aggregate = functools.partial(
    pl.kernel,
    out_type=(
        jax.ShapeDtypeStruct((NC, NPAD, D_NODE), jnp.float32),
        jax.ShapeDtypeStruct((NC, NPAD, D_EDGE), jnp.float32),
    ),
    mesh=plsc.VectorSubcoreMesh(core_axis_name="c", subcore_axis_name="s"),
    scratch_types=[
        pltpu.VMEM((4, CH), jnp.int32),
        pltpu.VMEM((4, CH), jnp.int32),
        pltpu.VMEM((4, CH), jnp.int32),
        pltpu.VMEM((4, CH), jnp.int32),
        pltpu.VMEM((CH, D_NODE), jnp.float32),
        pltpu.VMEM((CH, D_NODE), jnp.float32),
        pltpu.VMEM((CH, D_EDGE), jnp.float32),
        pltpu.VMEM((CH, D_EDGE), jnp.float32),
        pltpu.VMEM_SHARED((NPAD, D_NODE), jnp.float32),
        pltpu.VMEM_SHARED((NPAD, D_EDGE), jnp.float32),
    ] + [pltpu.SemaphoreType.DMA] * 12,
    compiler_params=pltpu.CompilerParams(use_tc_tiling_on_sc=False),
)(_sc_body)


ROWS_BLK = 1000


def _tc_pre_body(nx_ref, wct_ref, b_ref, o_ref):
    o_ref[...] = jnp.dot(nx_ref[...], wct_ref[...],
                         preferred_element_type=jnp.float32) + b_ref[...]


def _tc_pre(node_x, wct, bias):
    grid = N_NODES // ROWS_BLK
    return pl.pallas_call(
        _tc_pre_body,
        grid=(grid,),
        in_specs=[
            pl.BlockSpec((ROWS_BLK, D_NODE), lambda i: (i, 0)),
            pl.BlockSpec((D_NODE, D_OUT), lambda i: (0, 0)),
            pl.BlockSpec((1, D_OUT), lambda i: (0, 0)),
        ],
        out_specs=pl.BlockSpec((ROWS_BLK, D_OUT), lambda i: (i, 0)),
        out_shape=jax.ShapeDtypeStruct((N_NODES, D_OUT), jnp.float32),
    )(node_x, wct, bias)


def _tc_body(h0_ref, ap_ref0, ap_ref1, ep_ref0, ep_ref1,
             wnt_ref, wet_ref, o_ref):
    a = ap_ref0[0] + ap_ref1[0]
    e = ep_ref0[0] + ep_ref1[0]
    out = (h0_ref[...]
           + jnp.dot(a, wnt_ref[...], preferred_element_type=jnp.float32)
           + jnp.dot(e, wet_ref[...], preferred_element_type=jnp.float32))
    nrm = jnp.sqrt(jnp.sum(out * out, axis=1, keepdims=True))
    out = out / jnp.maximum(nrm, 1e-12)
    o_ref[...] = jnp.where(out >= 0, out, 0.01 * out)


def _tc_update(h0, aggr_p, aggr1_p, wnt, wet):
    grid = N_NODES // ROWS_BLK
    return pl.pallas_call(
        _tc_body,
        grid=(grid,),
        in_specs=[
            pl.BlockSpec((ROWS_BLK, D_OUT), lambda i: (i, 0)),
            pl.BlockSpec((1, ROWS_BLK, D_NODE), lambda i: (0, i, 0)),
            pl.BlockSpec((1, ROWS_BLK, D_NODE), lambda i: (1, i, 0)),
            pl.BlockSpec((1, ROWS_BLK, D_EDGE), lambda i: (0, i, 0)),
            pl.BlockSpec((1, ROWS_BLK, D_EDGE), lambda i: (1, i, 0)),
            pl.BlockSpec((D_NODE, D_OUT), lambda i: (0, 0)),
            pl.BlockSpec((D_EDGE, D_OUT), lambda i: (0, 0)),
        ],
        out_specs=pl.BlockSpec((ROWS_BLK, D_OUT), lambda i: (i, 0)),
        out_shape=jax.ShapeDtypeStruct((N_NODES, D_OUT), jnp.float32),
    )(h0, aggr_p, aggr_p, aggr1_p, aggr1_p, wnt, wet)


_NREAL = N_EDGES // CH
_PAD = EPAD - N_EDGES


def _pad_edges(idx, fill):
    return jnp.concatenate([idx, fill])


def kernel(node_x, edge_index, edge_x, node_edge_index,
           node_edge_scatter_index, Wc, bc, Wn, bn, We, be):
    ar = jnp.arange(_PAD, dtype=jnp.int32)
    row = _pad_edges(edge_index[0], ar % N_NODES)
    col = _pad_edges(edge_index[1], N_NODES + ar % (NPAD - N_NODES))
    nei = _pad_edges(node_edge_index, ar % N_EDGES)
    scat = _pad_edges(node_edge_scatter_index, N_NODES + ar % (NPAD - N_NODES))
    idx_all = jnp.stack([row, col, nei, scat]).reshape(
        4, NCHUNK, CH).transpose(1, 0, 2)
    aggr_p, aggr1_p = _sc_aggregate(idx_all, node_x, edge_x)
    bias = (bc + bn + be).reshape(1, D_OUT)
    h0 = _tc_pre(node_x, Wc.T, bias)
    return _tc_update(h0, aggr_p, aggr1_p, Wn.T, We.T)

# --- scband reference (transcript-rebuilt; emitter-appended) ---
"""Pipeline reference for scband-sage-conv-23940147708458 (READ-ONLY COPY).

The authoritative reference and input builder live on the scoring server;
editing this copy changes nothing except your own understanding.
"""

import jax, jax.numpy as jnp
import numpy as np

N_NODES = 10000
N_EDGES = 320000
D_NODE = 128
D_EDGE = 16
D_OUT = 128


def setup_inputs(seed: int = 0) -> dict:
    key = jax.random.key(seed)
    ks = jax.random.split(key, 12)
    node_x = jax.random.normal(ks[0], (N_NODES, D_NODE), dtype=jnp.float32)
    edge_index = jax.random.randint(ks[1], (2, N_EDGES), 0, N_NODES, dtype=jnp.int64 if jax.config.jax_enable_x64 else jnp.int32).astype(jnp.int32)
    edge_x = jax.random.normal(ks[2], (N_EDGES, D_EDGE), dtype=jnp.float32)
    node_edge_index = jax.random.randint(ks[3], (N_EDGES,), 0, N_EDGES, dtype=jnp.int32)
    node_edge_scatter_index = jnp.sort(jax.random.randint(ks[4], (N_EDGES,), 0, N_NODES, dtype=jnp.int32))
    bn_node = 1.0 / np.sqrt(D_NODE)
    bn_edge = 1.0 / np.sqrt(D_EDGE)
    Wc = jax.random.uniform(ks[5], (D_OUT, D_NODE), minval=-bn_node, maxval=bn_node, dtype=jnp.float32)
    bc = jax.random.uniform(ks[6], (D_OUT,), minval=-bn_node, maxval=bn_node, dtype=jnp.float32)
    Wn = jax.random.uniform(ks[7], (D_OUT, D_NODE), minval=-bn_node, maxval=bn_node, dtype=jnp.float32)
    bn = jax.random.uniform(ks[8], (D_OUT,), minval=-bn_node, maxval=bn_node, dtype=jnp.float32)
    We = jax.random.uniform(ks[9], (D_OUT, D_EDGE), minval=-bn_edge, maxval=bn_edge, dtype=jnp.float32)
    be = jax.random.uniform(ks[10], (D_OUT,), minval=-bn_edge, maxval=bn_edge, dtype=jnp.float32)
    return {"node_x": node_x, "edge_index": edge_index, "edge_x": edge_x,
            "node_edge_index": node_edge_index, "node_edge_scatter_index": node_edge_scatter_index,
            "Wc": Wc, "bc": bc, "Wn": Wn, "bn": bn, "We": We, "be": be}


def reference(node_x, edge_index, edge_x, node_edge_index, node_edge_scatter_index,
              Wc, bc, Wn, bn, We, be):
    n_nodes = node_x.shape[0]
    row = edge_index[0]
    col = edge_index[1]
    # message: gather source-node features and edge features
    x_j = jnp.take(node_x, row, axis=0)
    x_j_1 = jnp.take(edge_x, node_edge_index, axis=0)
    # aggregate: scatter-add into destination nodes
    aggr = jax.ops.segment_sum(x_j, col, num_segments=n_nodes)
    aggr_1 = jax.ops.segment_sum(x_j_1, node_edge_scatter_index, num_segments=n_nodes)
    # update: three linear layers (nn.Linear default has bias=True)
    out = (node_x @ Wc.T + bc) + (aggr @ Wn.T + bn) + (aggr_1 @ We.T + be)
    # F.normalize(out, p=2), default dim=1, eps=1e-12
    norm = jnp.sqrt(jnp.sum(out * out, axis=1, keepdims=True))
    out = out / jnp.maximum(norm, 1e-12)
    # F.leaky_relu, default negative_slope=0.01
    out = jnp.where(out >= 0, out, 0.01 * out)
    return out

if __name__ == "__main__":
    import jax
    _d = setup_inputs()
    print(jax.jit(kernel)(*tuple(_d.values())))

</pallas_src>

<mosaic_0001>
#map = affine_map<(d0, d1) -> (0, 0, 0)>
#map1 = affine_map<(d0, d1) -> (0, 0)>
module attributes {stable_mosaic.version = 14 : i64} {
  func.func @_sc_body(%arg0: i32, %arg1: i32, %arg2: memref<2560x4x128xi32, #tpu.memory_space<hbm>>, %arg3: memref<10000x128xf32, #tpu.memory_space<hbm>>, %arg4: memref<320000x16xf32, #tpu.memory_space<hbm>>, %arg5: memref<2x10112x128xf32, #tpu.memory_space<hbm>>, %arg6: memref<2x10112x16xf32, #tpu.memory_space<hbm>>, %arg7: memref<4x128xi32, #tpu.memory_space<vmem>>, %arg8: memref<4x128xi32, #tpu.memory_space<vmem>>, %arg9: memref<4x128xi32, #tpu.memory_space<vmem>>, %arg10: memref<4x128xi32, #tpu.memory_space<vmem>>, %arg11: memref<128x128xf32, #tpu.memory_space<vmem>>, %arg12: memref<128x128xf32, #tpu.memory_space<vmem>>, %arg13: memref<128x16xf32, #tpu.memory_space<vmem>>, %arg14: memref<128x16xf32, #tpu.memory_space<vmem>>, %arg15: memref<10112x128xf32, #tpu.memory_space<vmem_shared>>, %arg16: memref<10112x16xf32, #tpu.memory_space<vmem_shared>>, %arg17: memref<!tpu.dma_semaphore, #tpu.memory_space<semaphore_mem>>, %arg18: memref<!tpu.dma_semaphore, #tpu.memory_space<semaphore_mem>>, %arg19: memref<!tpu.dma_semaphore, #tpu.memory_space<semaphore_mem>>, %arg20: memref<!tpu.dma_semaphore, #tpu.memory_space<semaphore_mem>>, %arg21: memref<!tpu.dma_semaphore, #tpu.memory_space<semaphore_mem>>, %arg22: memref<!tpu.dma_semaphore, #tpu.memory_space<semaphore_mem>>, %arg23: memref<!tpu.dma_semaphore, #tpu.memory_space<semaphore_mem>>, %arg24: memref<!tpu.dma_semaphore, #tpu.memory_space<semaphore_mem>>, %arg25: memref<!tpu.dma_semaphore, #tpu.memory_space<semaphore_mem>>, %arg26: memref<!tpu.dma_semaphore, #tpu.memory_space<semaphore_mem>>, %arg27: memref<!tpu.dma_semaphore, #tpu.memory_space<semaphore_mem>>, %arg28: memref<!tpu.dma_semaphore, #tpu.memory_space<semaphore_mem>>) attributes {dimension_semantics = [#tpu.dimension_semantics<core_parallel>, #tpu.dimension_semantics<subcore_parallel>], iteration_bounds = array<i64: 2, 16>, scalar_prefetch = 0 : i64, scratch_operands = 22 : i64, tpu.core_type = #tpu.core_type<sc_vector_subcore>, window_params = [{transform_indices = #map}, {transform_indices = #map1}, {transform_indices = #map1}, {transform_indices = #map}, {transform_indices = #map}]} {
    %mul3A = arith.constant 2 : i32
    %mul3A_0 = arith.muli %arg1, %mul3A : i32
    %add3A = arith.addi %mul3A_0, %arg0 : i32
    %lt3A = arith.constant 4 : i32
    %lt3A_1 = arith.cmpi slt, %add3A, %lt3A : i32
    %jit3A = arith.constant 1 : i32
    %jit3A_2 = arith.constant 0 : i32
    %select_n3A = arith.select %lt3A_1, %jit3A, %jit3A_2 : i32
    %add3A_3 = arith.constant 78 : i32
    %add3A_4 = arith.addi %add3A_3, %select_n3A : i32
    %mul3A_5 = arith.constant 78 : i32
    %mul3A_6 = arith.muli %mul3A_5, %add3A : i32
    %min3A = arith.constant 4 : i32
    %min3A_7 = arith.minsi %add3A, %min3A : i32
    %add3A_8 = arith.addi %mul3A_6, %min3A_7 : i32
    %mul3A_9 = arith.constant 2 : i32
    %mul3A_10 = arith.muli %mul3A_9, %add3A : i32
    %min3A_11 = arith.constant 4 : i32
    %min3A_12 = arith.minsi %add3A, %min3A_11 : i32
    %sub3A = arith.subi %mul3A_10, %min3A_12 : i32
    %broadcast_in_dim3A = arith.constant 0.000000e+00 : f32
    %broadcast_in_dim3A_13 = vector.broadcast %broadcast_in_dim3A : f32 to vector<16xf32>
    %scan3A = arith.constant 0 : i32
    %scan3A_14 = arith.constant 0 : i32
    %scan3A_15 = arith.constant 128 : i32
    %scan3A_16 = arith.addi %scan3A_14, %scan3A_15 : i32
    %scan3A_17 = arith.constant 1 : i32
    %scan3A_18 = scf.for %scan3A_286 = %scan3A_14 to %scan3A_16 step %scan3A_17 iter_args(%scan3A_287 = %scan3A) -> (i32)  : i32 {
      %swap3A = arith.index_cast %scan3A_286 : i32 to index
      %swap3A_288 = arith.constant 0 : index
      %swap3A_289 = tpu.vector_load %arg11[%swap3A, %swap3A_288] {strides = array<i32>} : memref<128x128xf32, #tpu.memory_space<vmem>>, vector<1x16xf32>,
      %swap3A_290 = vector.shape_cast %swap3A_289 : vector<1x16xf32> to vector<16xf32>
      %swap3A_291 = vector.shape_cast %broadcast_in_dim3A_13 : vector<16xf32> to vector<1x16xf32>
      tpu.vector_store %arg11[%swap3A, %swap3A_288], %swap3A_291 {strides = array<i32>} : memref<128x128xf32, #tpu.memory_space<vmem>>, vector<1x16xf32>,
      %swap3A_292 = arith.index_cast %scan3A_286 : i32 to index
      %swap3A_293 = arith.constant 16 : index
      %swap3A_294 = tpu.vector_load %arg11[%swap3A_292, %swap3A_293] {strides = array<i32>} : memref<128x128xf32, #tpu.memory_space<vmem>>, vector<1x16xf32>,
      %swap3A_295 = vector.shape_cast %swap3A_294 : vector<1x16xf32> to vector<16xf32>
      %swap3A_296 = vector.shape_cast %broadcast_in_dim3A_13 : vector<16xf32> to vector<1x16xf32>
      tpu.vector_store %arg11[%swap3A_292, %swap3A_293], %swap3A_296 {strides = array<i32>} : memref<128x128xf32, #tpu.memory_space<vmem>>, vector<1x16xf32>,
      %swap3A_297 = arith.index_cast %scan3A_286 : i32 to index
      %swap3A_298 = arith.constant 32 : index
      %swap3A_299 = tpu.vector_load %arg11[%swap3A_297, %swap3A_298] {strides = array<i32>} : memref<128x128xf32, #tpu.memory_space<vmem>>, vector<1x16xf32>,
      %swap3A_300 = vector.shape_cast %swap3A_299 : vector<1x16xf32> to vector<16xf32>
      %swap3A_301 = vector.shape_cast %broadcast_in_dim3A_13 : vector<16xf32> to vector<1x16xf32>
      tpu.vector_store %arg11[%swap3A_297, %swap3A_298], %swap3A_301 {strides = array<i32>} : memref<128x128xf32, #tpu.memory_space<vmem>>, vector<1x16xf32>,
      %swap3A_302 = arith.index_cast %scan3A_286 : i32 to index
      %swap3A_303 = arith.constant 48 : index
      %swap3A_304 = tpu.vector_load %arg11[%swap3A_302, %swap3A_303] {strides = array<i32>} : memref<128x128xf32, #tpu.memory_space<vmem>>, vector<1x16xf32>,
      %swap3A_305 = vector.shape_cast %swap3A_304 : vector<1x16xf32> to vector<16xf32>
      %swap3A_306 = vector.shape_cast %broadcast_in_dim3A_13 : vector<16xf32> to vector<1x16xf32>
      tpu.vector_store %arg11[%swap3A_302, %swap3A_303], %swap3A_306 {strides = array<i32>} : memref<128x128xf32, #tpu.memory_space<vmem>>, vector<1x16xf32>,
      %swap3A_307 = arith.index_cast %scan3A_286 : i32 to index
      %swap3A_308 = arith.constant 64 : index
      %swap3A_309 = tpu.vector_load %arg11[%swap3A_307, %swap3A_308] {strides = array<i32>} : memref<128x128xf32, #tpu.memory_space<vmem>>, vector<1x16xf32>,
      %swap3A_310 = vector.shape_cast %swap3A_309 : vector<1x16xf32> to vector<16xf32>
      %swap3A_311 = vector.shape_cast %broadcast_in_dim3A_13 : vector<16xf32> to vector<1x16xf32>
      tpu.vector_store %arg11[%swap3A_307, %swap3A_308], %swap3A_311 {strides = array<i32>} : memref<128x128xf32, #tpu.memory_space<vmem>>, vector<1x16xf32>,
      %swap3A_312 = arith.index_cast %scan3A_286 : i32 to index
      %swap3A_313 = arith.constant 80 : index
      %swap3A_314 = tpu.vector_load %arg11[%swap3A_312, %swap3A_313] {strides = array<i32>} : memref<128x128xf32, #tpu.memory_space<vmem>>, vector<1x16xf32>,
      %swap3A_315 = vector.shape_cast %swap3A_314 : vector<1x16xf32> to vector<16xf32>
      %swap3A_316 = vector.shape_cast %broadcast_in_dim3A_13 : vector<16xf32> to vector<1x16xf32>
      tpu.vector_store %arg11[%swap3A_312, %swap3A_313], %swap3A_316 {strides = array<i32>} : memref<128x128xf32, #tpu.memory_space<vmem>>, vector<1x16xf32>,
      %swap3A_317 = arith.index_cast %scan3A_286 : i32 to index
      %swap3A_318 = arith.constant 96 : index
      %swap3A_319 = tpu.vector_load %arg11[%swap3A_317, %swap3A_318] {strides = array<i32>} : memref<128x128xf32, #tpu.memory_space<vmem>>, vector<1x16xf32>,
      %swap3A_320 = vector.shape_cast %swap3A_319 : vector<1x16xf32> to vector<16xf32>
      %swap3A_321 = vector.shape_cast %broadcast_in_dim3A_13 : vector<16xf32> to vector<1x16xf32>
      tpu.vector_store %arg11[%swap3A_317, %swap3A_318], %swap3A_321 {strides = array<i32>} : memref<128x128xf32, #tpu.memory_space<vmem>>, vector<1x16xf32>,
      %swap3A_322 = arith.index_cast %scan3A_286 : i32 to index
      %swap3A_323 = arith.constant 112 : index
      %swap3A_324 = tpu.vector_load %arg11[%swap3A_322, %swap3A_323] {strides = array<i32>} : memref<128x128xf32, #tpu.memory_space<vmem>>, vector<1x16xf32>,
      %swap3A_325 = vector.shape_cast %swap3A_324 : vector<1x16xf32> to vector<16xf32>
      %swap3A_326 = vector.shape_cast %broadcast_in_dim3A_13 : vector<16xf32> to vector<1x16xf32>
      tpu.vector_store %arg11[%swap3A_322, %swap3A_323], %swap3A_326 {strides = array<i32>} : memref<128x128xf32, #tpu.memory_space<vmem>>, vector<1x16xf32>,
      %swap3A_327 = arith.index_cast %scan3A_286 : i32 to index
      %swap3A_328 = arith.constant 0 : index
      %swap3A_329 = tpu.vector_load %arg13[%swap3A_327, %swap3A_328] {strides = array<i32>} : memref<128x16xf32, #tpu.memory_space<vmem>>, vector<1x16xf32>,
      %swap3A_330 = vector.shape_cast %swap3A_329 : vector<1x16xf32> to vector<16xf32>
      %swap3A_331 = vector.shape_cast %broadcast_in_dim3A_13 : vector<16xf32> to vector<1x16xf32>
      tpu.vector_store %arg13[%swap3A_327, %swap3A_328], %swap3A_331 {strides = array<i32>} : memref<128x16xf32, #tpu.memory_space<vmem>>, vector<1x16xf32>,
      %scan3A_332 = arith.constant 0 : i32
      scf.yield %scan3A_332 : i32
    }
    %scan3A_19 = arith.constant 128 : i32
    %mul3A_20 = arith.constant 632 : i32
    %mul3A_21 = arith.muli %arg1, %mul3A_20 : i32
    %add3A_22 = arith.constant 0 : i32
    %add3A_23 = arith.addi %mul3A_21, %add3A_22 : i32
    %dma_start3A = arith.constant 0 : i32
    %dma_start3A_24 = tpu.memref_slice %arg15[%add3A_23, %dma_start3A] : memref<10112x128xf32, #tpu.memory_space<vmem_shared>> -> memref<128x128xf32, #tpu.memory_space<vmem_shared>>
    %dma_start3A_25 = arith.constant 0 : i32
    %dma_start3A_26 = tpu.memref_slice %arg15[%add3A_23, %dma_start3A_25] : memref<10112x128xf32, #tpu.memory_space<vmem_shared>> -> memref<128x128xf32, #tpu.memory_space<vmem_shared>>
    tpu.enqueue_dma source(%arg11 : memref<128x128xf32, #tpu.memory_space<vmem>>) target(%dma_start3A_26 : memref<128x128xf32, #tpu.memory_space<vmem_shared>>) target_semaphore(%arg22 : memref<!tpu.dma_semaphore, #tpu.memory_space<semaphore_mem>>)
    %add3A_27 = arith.constant 0 : i32
    %add3A_28 = arith.addi %mul3A_21, %add3A_27 : i32
    %dma_start3A_29 = arith.constant 0 : i32
    %dma_start3A_30 = tpu.memref_slice %arg16[%add3A_28, %dma_start3A_29] : memref<10112x16xf32, #tpu.memory_space<vmem_shared>> -> memref<128x16xf32, #tpu.memory_space<vmem_shared>>
    %dma_start3A_31 = arith.constant 0 : i32
    %dma_start3A_32 = tpu.memref_slice %arg16[%add3A_28, %dma_start3A_31] : memref<10112x16xf32, #tpu.memory_space<vmem_shared>> -> memref<128x16xf32, #tpu.memory_space<vmem_shared>>
    tpu.enqueue_dma source(%arg13 : memref<128x16xf32, #tpu.memory_space<vmem>>) target(%dma_start3A_32 : memref<128x16xf32, #tpu.memory_space<vmem_shared>>) target_semaphore(%arg24 : memref<!tpu.dma_semaphore, #tpu.memory_space<semaphore_mem>>)
    %add3A_33 = arith.constant 128 : i32
    %add3A_34 = arith.addi %mul3A_21, %add3A_33 : i32
    %dma_start3A_35 = arith.constant 0 : i32
    %dma_start3A_36 = tpu.memref_slice %arg15[%add3A_34, %dma_start3A_35] : memref<10112x128xf32, #tpu.memory_space<vmem_shared>> -> memref<128x128xf32, #tpu.memory_space<vmem_shared>>
    %dma_start3A_37 = arith.constant 0 : i32
    %dma_start3A_38 = tpu.memref_slice %arg15[%add3A_34, %dma_start3A_37] : memref<10112x128xf32, #tpu.memory_space<vmem_shared>> -> memref<128x128xf32, #tpu.memory_space<vmem_shared>>
    tpu.enqueue_dma source(%arg11 : memref<128x128xf32, #tpu.memory_space<vmem>>) target(%dma_start3A_38 : memref<128x128xf32, #tpu.memory_space<vmem_shared>>) target_semaphore(%arg22 : memref<!tpu.dma_semaphore, #tpu.memory_space<semaphore_mem>>)
    %add3A_39 = arith.constant 128 : i32
    %add3A_40 = arith.addi %mul3A_21, %add3A_39 : i32
    %dma_start3A_41 = arith.constant 0 : i32
    %dma_start3A_42 = tpu.memref_slice %arg16[%add3A_40, %dma_start3A_41] : memref<10112x16xf32, #tpu.memory_space<vmem_shared>> -> memref<128x16xf32, #tpu.memory_space<vmem_shared>>
    %dma_start3A_43 = arith.constant 0 : i32
    %dma_start3A_44 = tpu.memref_slice %arg16[%add3A_40, %dma_start3A_43] : memref<10112x16xf32, #tpu.memory_space<vmem_shared>> -> memref<128x16xf32, #tpu.memory_space<vmem_shared>>
    tpu.enqueue_dma source(%arg13 : memref<128x16xf32, #tpu.memory_space<vmem>>) target(%dma_start3A_44 : memref<128x16xf32, #tpu.memory_space<vmem_shared>>) target_semaphore(%arg24 : memref<!tpu.dma_semaphore, #tpu.memory_space<semaphore_mem>>)
    %add3A_45 = arith.constant 256 : i32
    %add3A_46 = arith.addi %mul3A_21, %add3A_45 : i32
    %dma_start3A_47 = arith.constant 0 : i32
    %dma_start3A_48 = tpu.memref_slice %arg15[%add3A_46, %dma_start3A_47] : memref<10112x128xf32, #tpu.memory_space<vmem_shared>> -> memref<128x128xf32, #tpu.memory_space<vmem_shared>>
    %dma_start3A_49 = arith.constant 0 : i32
    %dma_start3A_50 = tpu.memref_slice %arg15[%add3A_46, %dma_start3A_49] : memref<10112x128xf32, #tpu.memory_space<vmem_shared>> -> memref<128x128xf32, #tpu.memory_space<vmem_shared>>
    tpu.enqueue_dma source(%arg11 : memref<128x128xf32, #tpu.memory_space<vmem>>) target(%dma_start3A_50 : memref<128x128xf32, #tpu.memory_space<vmem_shared>>) target_semaphore(%arg22 : memref<!tpu.dma_semaphore, #tpu.memory_space<semaphore_mem>>)
    %add3A_51 = arith.constant 256 : i32
    %add3A_52 = arith.addi %mul3A_21, %add3A_51 : i32
    %dma_start3A_53 = arith.constant 0 : i32
    %dma_start3A_54 = tpu.memref_slice %arg16[%add3A_52, %dma_start3A_53] : memref<10112x16xf32, #tpu.memory_space<vmem_shared>> -> memref<128x16xf32, #tpu.memory_space<vmem_shared>>
    %dma_start3A_55 = arith.constant 0 : i32
    %dma_start3A_56 = tpu.memref_slice %arg16[%add3A_52, %dma_start3A_55] : memref<10112x16xf32, #tpu.memory_space<vmem_shared>> -> memref<128x16xf32, #tpu.memory_space<vmem_shared>>
    tpu.enqueue_dma source(%arg13 : memref<128x16xf32, #tpu.memory_space<vmem>>) target(%dma_start3A_56 : memref<128x16xf32, #tpu.memory_space<vmem_shared>>) target_semaphore(%arg24 : memref<!tpu.dma_semaphore, #tpu.memory_space<semaphore_mem>>)
    %add3A_57 = arith.constant 384 : i32
    %add3A_58 = arith.addi %mul3A_21, %add3A_57 : i32
    %dma_start3A_59 = arith.constant 0 : i32
    %dma_start3A_60 = tpu.memref_slice %arg15[%add3A_58, %dma_start3A_59] : memref<10112x128xf32, #tpu.memory_space<vmem_shared>> -> memref<128x128xf32, #tpu.memory_space<vmem_shared>>
    %dma_start3A_61 = arith.constant 0 : i32
    %dma_start3A_62 = tpu.memref_slice %arg15[%add3A_58, %dma_start3A_61] : memref<10112x128xf32, #tpu.memory_space<vmem_shared>> -> memref<128x128xf32, #tpu.memory_space<vmem_shared>>
    tpu.enqueue_dma source(%arg11 : memref<128x128xf32, #tpu.memory_space<vmem>>) target(%dma_start3A_62 : memref<128x128xf32, #tpu.memory_space<vmem_shared>>) target_semaphore(%arg22 : memref<!tpu.dma_semaphore, #tpu.memory_space<semaphore_mem>>)
    %add3A_63 = arith.constant 384 : i32
    %add3A_64 = arith.addi %mul3A_21, %add3A_63 : i32
    %dma_start3A_65 = arith.constant 0 : i32
    %dma_start3A_66 = tpu.memref_slice %arg16[%add3A_64, %dma_start3A_65] : memref<10112x16xf32, #tpu.memory_space<vmem_shared>> -> memref<128x16xf32, #tpu.memory_space<vmem_shared>>
    %dma_start3A_67 = arith.constant 0 : i32
    %dma_start3A_68 = tpu.memref_slice %arg16[%add3A_64, %dma_start3A_67] : memref<10112x16xf32, #tpu.memory_space<vmem_shared>> -> memref<128x16xf32, #tpu.memory_space<vmem_shared>>
    tpu.enqueue_dma source(%arg13 : memref<128x16xf32, #tpu.memory_space<vmem>>) target(%dma_start3A_68 : memref<128x16xf32, #tpu.memory_space<vmem_shared>>) target_semaphore(%arg24 : memref<!tpu.dma_semaphore, #tpu.memory_space<semaphore_mem>>)
    %add3A_69 = arith.constant 512 : i32
    %add3A_70 = arith.addi %mul3A_21, %add3A_69 : i32
    %dma_start3A_71 = arith.constant 0 : i32
    %dma_start3A_72 = arith.constant 0 : i32
    %dma_start3A_73 = tpu.memref_slice %arg11[%dma_start3A_71, %dma_start3A_72] : memref<128x128xf32, #tpu.memory_space<vmem>> -> memref<120x128xf32, #tpu.memory_space<vmem>>
    %dma_start3A_74 = arith.constant 0 : i32
    %dma_start3A_75 = tpu.memref_slice %arg15[%add3A_70, %dma_start3A_74] : memref<10112x128xf32, #tpu.memory_space<vmem_shared>> -> memref<120x128xf32, #tpu.memory_space<vmem_shared>>
    %dma_start3A_76 = arith.constant 0 : i32
    %dma_start3A_77 = tpu.memref_slice %arg15[%add3A_70, %dma_start3A_76] : memref<10112x128xf32, #tpu.memory_space<vmem_shared>> -> memref<120x128xf32, #tpu.memory_space<vmem_shared>>
    %dma_start3A_78 = arith.constant 0 : i32
    %dma_start3A_79 = arith.constant 0 : i32
    %dma_start3A_80 = tpu.memref_slice %arg11[%dma_start3A_78, %dma_start3A_79] : memref<128x128xf32, #tpu.memory_space<vmem>> -> memref<120x128xf32, #tpu.memory_space<vmem>>
    tpu.enqueue_dma source(%dma_start3A_80 : memref<120x128xf32, #tpu.memory_space<vmem>>) target(%dma_start3A_77 : memref<120x128xf32, #tpu.memory_space<vmem_shared>>) target_semaphore(%arg22 : memref<!tpu.dma_semaphore, #tpu.memory_space<semaphore_mem>>)
    %add3A_81 = arith.constant 512 : i32
    %add3A_82 = arith.addi %mul3A_21, %add3A_81 : i32
    %dma_start3A_83 = arith.constant 0 : i32
    %dma_start3A_84 = arith.constant 0 : i32
    %dma_start3A_85 = tpu.memref_slice %arg13[%dma_start3A_83, %dma_start3A_84] : memref<128x16xf32, #tpu.memory_space<vmem>> -> memref<120x16xf32, #tpu.memory_space<vmem>>
    %dma_start3A_86 = arith.constant 0 : i32
    %dma_start3A_87 = tpu.memref_slice %arg16[%add3A_82, %dma_start3A_86] : memref<10112x16xf32, #tpu.memory_space<vmem_shared>> -> memref<120x16xf32, #tpu.memory_space<vmem_shared>>
    %dma_start3A_88 = arith.constant 0 : i32
    %dma_start3A_89 = tpu.memref_slice %arg16[%add3A_82, %dma_start3A_88] : memref<10112x16xf32, #tpu.memory_space<vmem_shared>> -> memref<120x16xf32, #tpu.memory_space<vmem_shared>>
    %dma_start3A_90 = arith.constant 0 : i32
    %dma_start3A_91 = arith.constant 0 : i32
    %dma_start3A_92 = tpu.memref_slice %arg13[%dma_start3A_90, %dma_start3A_91] : memref<128x16xf32, #tpu.memory_space<vmem>> -> memref<120x16xf32, #tpu.memory_space<vmem>>
    tpu.enqueue_dma source(%dma_start3A_92 : memref<120x16xf32, #tpu.memory_space<vmem>>) target(%dma_start3A_89 : memref<120x16xf32, #tpu.memory_space<vmem_shared>>) target_semaphore(%arg24 : memref<!tpu.dma_semaphore, #tpu.memory_space<semaphore_mem>>)
    %gt3A = arith.constant 0 : i32
    %gt3A_93 = arith.cmpi sgt, %add3A_4, %gt3A : i32
    %add3A_94 = arith.constant 0 : i32
    %add3A_95 = arith.addi %add3A_8, %add3A_94 : i32
    %add3A_96 = arith.constant 2500 : i32
    %add3A_97 = arith.addi %add3A_96, %sub3A : i32
    %sub3A_98 = arith.constant 0 : i32
    %sub3A_99 = arith.subi %sub3A_98, %add3A_4 : i32
    %add3A_100 = arith.addi %add3A_97, %sub3A_99 : i32
    %select_n3A_101 = arith.select %gt3A_93, %add3A_95, %add3A_100 : i32
    %dma_start3A_102 = arith.constant 0 : i32
    %dma_start3A_103 = arith.constant 0 : i32
    %dma_start3A_104 = tpu.memref_slice %arg2[%select_n3A_101, %dma_start3A_102, %dma_start3A_103] : memref<2560x4x128xi32, #tpu.memory_space<hbm>> -> memref<1x4x128xi32, #tpu.memory_space<hbm>>
    %dma_start3A_105 = tpu.memref_squeeze %dma_start3A_104 : memref<1x4x128xi32, #tpu.memory_space<hbm>> -> memref<4x128xi32, #tpu.memory_space<hbm>>
    %dma_start3A_106 = arith.constant 0 : i32
    %dma_start3A_107 = arith.constant 0 : i32
    %dma_start3A_108 = tpu.memref_slice %arg2[%select_n3A_101, %dma_start3A_106, %dma_start3A_107] : memref<2560x4x128xi32, #tpu.memory_space<hbm>> -> memref<1x4x128xi32, #tpu.memory_space<hbm>>
    %dma_start3A_109 = tpu.memref_squeeze %dma_start3A_108 : memref<1x4x128xi32, #tpu.memory_space<hbm>> -> memref<4x128xi32, #tpu.memory_space<hbm>>
    tpu.enqueue_dma source(%dma_start3A_109 : memref<4x128xi32, #tpu.memory_space<hbm>>) target(%arg7 : memref<4x128xi32, #tpu.memory_space<vmem>>) target_semaphore(%arg17 : memref<!tpu.dma_semaphore, #tpu.memory_space<semaphore_mem>>)
    %gt3A_110 = arith.constant 1 : i32
    %gt3A_111 = arith.cmpi sgt, %add3A_4, %gt3A_110 : i32
    %add3A_112 = arith.constant 1 : i32
    %add3A_113 = arith.addi %add3A_8, %add3A_112 : i32
    %add3A_114 = arith.constant 2500 : i32
    %add3A_115 = arith.addi %add3A_114, %sub3A : i32
    %sub3A_116 = arith.constant 1 : i32
    %sub3A_117 = arith.subi %sub3A_116, %add3A_4 : i32
    %add3A_118 = arith.addi %add3A_115, %sub3A_117 : i32
    %select_n3A_119 = arith.select %gt3A_111, %add3A_113, %add3A_118 : i32
    %dma_start3A_120 = arith.constant 0 : i32
    %dma_start3A_121 = arith.constant 0 : i32
    %dma_start3A_122 = tpu.memref_slice %arg2[%select_n3A_119, %dma_start3A_120, %dma_start3A_121] : memref<2560x4x128xi32, #tpu.memory_space<hbm>> -> memref<1x4x128xi32, #tpu.memory_space<hbm>>
    %dma_start3A_123 = tpu.memref_squeeze %dma_start3A_122 : memref<1x4x128xi32, #tpu.memory_space<hbm>> -> memref<4x128xi32, #tpu.memory_space<hbm>>
    %dma_start3A_124 = arith.constant 0 : i32
    %dma_start3A_125 = arith.constant 0 : i32
    %dma_start3A_126 = tpu.memref_slice %arg2[%select_n3A_119, %dma_start3A_124, %dma_start3A_125] : memref<2560x4x128xi32, #tpu.memory_space<hbm>> -> memref<1x4x128xi32, #tpu.memory_space<hbm>>
    %dma_start3A_127 = tpu.memref_squeeze %dma_start3A_126 : memref<1x4x128xi32, #tpu.memory_space<hbm>> -> memref<4x128xi32, #tpu.memory_space<hbm>>
    tpu.enqueue_dma source(%dma_start3A_127 : memref<4x128xi32, #tpu.memory_space<hbm>>) target(%arg8 : memref<4x128xi32, #tpu.memory_space<vmem>>) target_semaphore(%arg18 : memref<!tpu.dma_semaphore, #tpu.memory_space<semaphore_mem>>)
    %add3A_128 = arith.constant 0 : i32
    %add3A_129 = arith.addi %mul3A_21, %add3A_128 : i32
    %dma_wait3A = arith.constant 0 : i32
    %dma_wait3A_130 = tpu.memref_slice %arg15[%add3A_129, %dma_wait3A] : memref<10112x128xf32, #tpu.memory_space<vmem_shared>> -> memref<128x128xf32, #tpu.memory_space<vmem_shared>>
    %dma_wait3A_131 = arith.constant 0 : i32
    %dma_wait3A_132 = tpu.memref_slice %arg15[%add3A_129, %dma_wait3A_131] : memref<10112x128xf32, #tpu.memory_space<vmem_shared>> -> memref<128x128xf32, #tpu.memory_space<vmem_shared>>
    tpu.wait_dma2 semaphore(%arg22 : memref<!tpu.dma_semaphore, #tpu.memory_space<semaphore_mem>>) src(%arg11 : memref<128x128xf32, #tpu.memory_space<vmem>>) dst(%dma_wait3A_132 : memref<128x128xf32, #tpu.memory_space<vmem_shared>>)
    %add3A_133 = arith.constant 0 : i32
    %add3A_134 = arith.addi %mul3A_21, %add3A_133 : i32
    %dma_wait3A_135 = arith.constant 0 : i32
    %dma_wait3A_136 = tpu.memref_slice %arg16[%add3A_134, %dma_wait3A_135] : memref<10112x16xf32, #tpu.memory_space<vmem_shared>> -> memref<128x16xf32, #tpu.memory_space<vmem_shared>>
    %dma_wait3A_137 = arith.constant 0 : i32
    %dma_wait3A_138 = tpu.memref_slice %arg16[%add3A_134, %dma_wait3A_137] : memref<10112x16xf32, #tpu.memory_space<vmem_shared>> -> memref<128x16xf32, #tpu.memory_space<vmem_shared>>
    tpu.wait_dma2 semaphore(%arg24 : memref<!tpu.dma_semaphore, #tpu.memory_space<semaphore_mem>>) src(%arg13 : memref<128x16xf32, #tpu.memory_space<vmem>>) dst(%dma_wait3A_138 : memref<128x16xf32, #tpu.memory_space<vmem_shared>>)
    %add3A_139 = arith.constant 128 : i32
    %add3A_140 = arith.addi %mul3A_21, %add3A_139 : i32
    %dma_wait3A_141 = arith.constant 0 : i32
    %dma_wait3A_142 = tpu.memref_slice %arg15[%add3A_140, %dma_wait3A_141] : memref<10112x128xf32, #tpu.memory_space<vmem_shared>> -> memref<128x128xf32, #tpu.memory_space<vmem_shared>>
    %dma_wait3A_143 = arith.constant 0 : i32
    %dma_wait3A_144 = tpu.memref_slice %arg15[%add3A_140, %dma_wait3A_143] : memref<10112x128xf32, #tpu.memory_space<vmem_shared>> -> memref<128x128xf32, #tpu.memory_space<vmem_shared>>
    tpu.wait_dma2 semaphore(%arg22 : memref<!tpu.dma_semaphore, #tpu.memory_space<semaphore_mem>>) src(%arg11 : memref<128x128xf32, #tpu.memory_space<vmem>>) dst(%dma_wait3A_144 : memref<128x128xf32, #tpu.memory_space<vmem_shared>>)
    %add3A_145 = arith.constant 128 : i32
    %add3A_146 = arith.addi %mul3A_21, %add3A_145 : i32
    %dma_wait3A_147 = arith.constant 0 : i32
    %dma_wait3A_148 = tpu.memref_slice %arg16[%add3A_146, %dma_wait3A_147] : memref<10112x16xf32, #tpu.memory_space<vmem_shared>> -> memref<128x16xf32, #tpu.memory_space<vmem_shared>>
    %dma_wait3A_149 = arith.constant 0 : i32
    %dma_wait3A_150 = tpu.memref_slice %arg16[%add3A_146, %dma_wait3A_149] : memref<10112x16xf32, #tpu.memory_space<vmem_shared>> -> memref<128x16xf32, #tpu.memory_space<vmem_shared>>
    tpu.wait_dma2 semaphore(%arg24 : memref<!tpu.dma_semaphore, #tpu.memory_space<semaphore_mem>>) src(%arg13 : memref<128x16xf32, #tpu.memory_space<vmem>>) dst(%dma_wait3A_150 : memref<128x16xf32, #tpu.memory_space<vmem_shared>>)
    %add3A_151 = arith.constant 256 : i32
    %add3A_152 = arith.addi %mul3A_21, %add3A_151 : i32
    %dma_wait3A_153 = arith.constant 0 : i32
    %dma_wait3A_154 = tpu.memref_slice %arg15[%add3A_152, %dma_wait3A_153] : memref<10112x128xf32, #tpu.memory_space<vmem_shared>> -> memref<128x128xf32, #tpu.memory_space<vmem_shared>>
    %dma_wait3A_155 = arith.constant 0 : i32
    %dma_wait3A_156 = tpu.memref_slice %arg15[%add3A_152, %dma_wait3A_155] : memref<10112x128xf32, #tpu.memory_space<vmem_shared>> -> memref<128x128xf32, #tpu.memory_space<vmem_shared>>
    tpu.wait_dma2 semaphore(%arg22 : memref<!tpu.dma_semaphore, #tpu.memory_space<semaphore_mem>>) src(%arg11 : memref<128x128xf32, #tpu.memory_space<vmem>>) dst(%dma_wait3A_156 : memref<128x128xf32, #tpu.memory_space<vmem_shared>>)
    %add3A_157 = arith.constant 256 : i32
    %add3A_158 = arith.addi %mul3A_21, %add3A_157 : i32
    %dma_wait3A_159 = arith.constant 0 : i32
    %dma_wait3A_160 = tpu.memref_slice %arg16[%add3A_158, %dma_wait3A_159] : memref<10112x16xf32, #tpu.memory_space<vmem_shared>> -> memref<128x16xf32, #tpu.memory_space<vmem_shared>>
    %dma_wait3A_161 = arith.constant 0 : i32
    %dma_wait3A_162 = tpu.memref_slice %arg16[%add3A_158, %dma_wait3A_161] : memref<10112x16xf32, #tpu.memory_space<vmem_shared>> -> memref<128x16xf32, #tpu.memory_space<vmem_shared>>
    tpu.wait_dma2 semaphore(%arg24 : memref<!tpu.dma_semaphore, #tpu.memory_space<semaphore_mem>>) src(%arg13 : memref<128x16xf32, #tpu.memory_space<vmem>>) dst(%dma_wait3A_162 : memref<128x16xf32, #tpu.memory_space<vmem_shared>>)
    %add3A_163 = arith.constant 384 : i32
    %add3A_164 = arith.addi %mul3A_21, %add3A_163 : i32
    %dma_wait3A_165 = arith.constant 0 : i32
    %dma_wait3A_166 = tpu.memref_slice %arg15[%add3A_164, %dma_wait3A_165] : memref<10112x128xf32, #tpu.memory_space<vmem_shared>> -> memref<128x128xf32, #tpu.memory_space<vmem_shared>>
    %dma_wait3A_167 = arith.constant 0 : i32
    %dma_wait3A_168 = tpu.memref_slice %arg15[%add3A_164, %dma_wait3A_167] : memref<10112x128xf32, #tpu.memory_space<vmem_shared>> -> memref<128x128xf32, #tpu.memory_space<vmem_shared>>
    tpu.wait_dma2 semaphore(%arg22 : memref<!tpu.dma_semaphore, #tpu.memory_space<semaphore_mem>>) src(%arg11 : memref<128x128xf32, #tpu.memory_space<vmem>>) dst(%dma_wait3A_168 : memref<128x128xf32, #tpu.memory_space<vmem_shared>>)
    %add3A_169 = arith.constant 384 : i32
    %add3A_170 = arith.addi %mul3A_21, %add3A_169 : i32
    %dma_wait3A_171 = arith.constant 0 : i32
    %dma_wait3A_172 = tpu.memref_slice %arg16[%add3A_170, %dma_wait3A_171] : memref<10112x16xf32, #tpu.memory_space<vmem_shared>> -> memref<128x16xf32, #tpu.memory_space<vmem_shared>>
    %dma_wait3A_173 = arith.constant 0 : i32
    %dma_wait3A_174 = tpu.memref_slice %arg16[%add3A_170, %dma_wait3A_173] : memref<10112x16xf32, #tpu.memory_space<vmem_shared>> -> memref<128x16xf32, #tpu.memory_space<vmem_shared>>
    tpu.wait_dma2 semaphore(%arg24 : memref<!tpu.dma_semaphore, #tpu.memory_space<semaphore_mem>>) src(%arg13 : memref<128x16xf32, #tpu.memory_space<vmem>>) dst(%dma_wait3A_174 : memref<128x16xf32, #tpu.memory_space<vmem_shared>>)
    %add3A_175 = arith.constant 512 : i32
    %add3A_176 = arith.addi %mul3A_21, %add3A_175 : i32
    %dma_wait3A_177 = arith.constant 0 : i32
    %dma_wait3A_178 = arith.constant 0 : i32
    %dma_wait3A_179 = tpu.memref_slice %arg11[%dma_wait3A_177, %dma_wait3A_178] : memref<128x128xf32, #tpu.memory_space<vmem>> -> memref<120x128xf32, #tpu.memory_space<vmem>>
    %dma_wait3A_180 = arith.constant 0 : i32
    %dma_wait3A_181 = tpu.memref_slice %arg15[%add3A_176, %dma_wait3A_180] : memref<10112x128xf32, #tpu.memory_space<vmem_shared>> -> memref<120x128xf32, #tpu.memory_space<vmem_shared>>
    %dma_wait3A_182 = arith.constant 0 : i32
    %dma_wait3A_183 = tpu.memref_slice %arg15[%add3A_176, %dma_wait3A_182] : memref<10112x128xf32, #tpu.memory_space<vmem_shared>> -> memref<120x128xf32, #tpu.memory_space<vmem_shared>>
    %dma_wait3A_184 = arith.constant 0 : i32
    %dma_wait3A_185 = arith.constant 0 : i32
    %dma_wait3A_186 = tpu.memref_slice %arg11[%dma_wait3A_184, %dma_wait3A_185] : memref<128x128xf32, #tpu.memory_space<vmem>> -> memref<120x128xf32, #tpu.memory_space<vmem>>
    tpu.wait_dma2 semaphore(%arg22 : memref<!tpu.dma_semaphore, #tpu.memory_space<semaphore_mem>>) src(%dma_wait3A_186 : memref<120x128xf32, #tpu.memory_space<vmem>>) dst(%dma_wait3A_183 : memref<120x128xf32, #tpu.memory_space<vmem_shared>>)
    %add3A_187 = arith.constant 512 : i32
    %add3A_188 = arith.addi %mul3A_21, %add3A_187 : i32
    %dma_wait3A_189 = arith.constant 0 : i32
    %dma_wait3A_190 = arith.constant 0 : i32
    %dma_wait3A_191 = tpu.memref_slice %arg13[%dma_wait3A_189, %dma_wait3A_190] : memref<128x16xf32, #tpu.memory_space<vmem>> -> memref<120x16xf32, #tpu.memory_space<vmem>>
    %dma_wait3A_192 = arith.constant 0 : i32
    %dma_wait3A_193 = tpu.memref_slice %arg16[%add3A_188, %dma_wait3A_192] : memref<10112x16xf32, #tpu.memory_space<vmem_shared>> -> memref<120x16xf32, #tpu.memory_space<vmem_shared>>
    %dma_wait3A_194 = arith.constant 0 : i32
    %dma_wait3A_195 = tpu.memref_slice %arg16[%add3A_188, %dma_wait3A_194] : memref<10112x16xf32, #tpu.memory_space<vmem_shared>> -> memref<120x16xf32, #tpu.memory_space<vmem_shared>>
    %dma_wait3A_196 = arith.constant 0 : i32
    %dma_wait3A_197 = arith.constant 0 : i32
    %dma_wait3A_198 = tpu.memref_slice %arg13[%dma_wait3A_196, %dma_wait3A_197] : memref<128x16xf32, #tpu.memory_space<vmem>> -> memref<120x16xf32, #tpu.memory_space<vmem>>
    tpu.wait_dma2 semaphore(%arg24 : memref<!tpu.dma_semaphore, #tpu.memory_space<semaphore_mem>>) src(%dma_wait3A_198 : memref<120x16xf32, #tpu.memory_space<vmem>>) dst(%dma_wait3A_195 : memref<120x16xf32, #tpu.memory_space<vmem_shared>>)
    %gt3A_199 = arith.constant 0 : i32
    %gt3A_200 = arith.cmpi sgt, %add3A_4, %gt3A_199 : i32
    %add3A_201 = arith.constant 0 : i32
    %add3A_202 = arith.addi %add3A_8, %add3A_201 : i32
    %add3A_203 = arith.constant 2500 : i32
    %add3A_204 = arith.addi %add3A_203, %sub3A : i32
    %sub3A_205 = arith.constant 0 : i32
    %sub3A_206 = arith.subi %sub3A_205, %add3A_4 : i32
    %add3A_207 = arith.addi %add3A_204, %sub3A_206 : i32
    %select_n3A_208 = arith.select %gt3A_200, %add3A_202, %add3A_207 : i32
    %dma_wait3A_209 = arith.constant 0 : i32
    %dma_wait3A_210 = arith.constant 0 : i32
    %dma_wait3A_211 = tpu.memref_slice %arg2[%select_n3A_208, %dma_wait3A_209, %dma_wait3A_210] : memref<2560x4x128xi32, #tpu.memory_space<hbm>> -> memref<1x4x128xi32, #tpu.memory_space<hbm>>
    %dma_wait3A_212 = tpu.memref_squeeze %dma_wait3A_211 : memref<1x4x128xi32, #tpu.memory_space<hbm>> -> memref<4x128xi32, #tpu.memory_space<hbm>>
    %dma_wait3A_213 = arith.constant 0 : i32
    %dma_wait3A_214 = arith.constant 0 : i32
    %dma_wait3A_215 = tpu.memref_slice %arg2[%select_n3A_208, %dma_wait3A_213, %dma_wait3A_214] : memref<2560x4x128xi32, #tpu.memory_space<hbm>> -> memref<1x4x128xi32, #tpu.memory_space<hbm>>
    %dma_wait3A_216 = tpu.memref_squeeze %dma_wait3A_215 : memref<1x4x128xi32, #tpu.memory_space<hbm>> -> memref<4x128xi32, #tpu.memory_space<hbm>>
    tpu.wait_dma2 semaphore(%arg17 : memref<!tpu.dma_semaphore, #tpu.memory_space<semaphore_mem>>) src(%dma_wait3A_216 : memref<4x128xi32, #tpu.memory_space<hbm>>) dst(%arg7 : memref<4x128xi32, #tpu.memory_space<vmem>>)
    %dma_start3A_217 = arith.constant 0 : i32
    %dma_start3A_218 = arith.constant 0 : i32
    %dma_start3A_219 = tpu.memref_slice %arg7[%dma_start3A_217, %dma_start3A_218] : memref<4x128xi32, #tpu.memory_space<vmem>> -> memref<1x128xi32, #tpu.memory_space<vmem>>
    %dma_start3A_220 = tpu.memref_squeeze %dma_start3A_219 : memref<1x128xi32, #tpu.memory_space<vmem>> -> memref<128xi32, #tpu.memory_space<vmem>>
    %dma_start3A_221 = arith.constant 0 : i32
    %dma_start3A_222 = arith.constant 0 : i32
    %dma_start3A_223 = tpu.memref_slice %arg3[%dma_start3A_221, %dma_start3A_222] : memref<10000x128xf32, #tpu.memory_space<hbm>> -> memref<10000x128xf32, #tpu.memory_space<hbm>>
    tpu.enqueue_indirect_dma source(%dma_start3A_223 : memref<10000x128xf32, #tpu.memory_space<hbm>>) target(%arg11 : memref<128x128xf32, #tpu.memory_space<vmem>>) offsets(%dma_start3A_220 : memref<128xi32, #tpu.memory_space<vmem>>) semaphore(%arg21 : memref<!tpu.dma_semaphore, #tpu.memory_space<semaphore_mem>>)
    %dma_start3A_224 = arith.constant 2 : i32
    %dma_start3A_225 = arith.constant 0 : i32
    %dma_start3A_226 = tpu.memref_slice %arg7[%dma_start3A_224, %dma_start3A_225] : memref<4x128xi32, #tpu.memory_space<vmem>> -> memref<1x128xi32, #tpu.memory_space<vmem>>
    %dma_start3A_227 = tpu.memref_squeeze %dma_start3A_226 : memref<1x128xi32, #tpu.memory_space<vmem>> -> memref<128xi32, #tpu.memory_space<vmem>>
    %dma_start3A_228 = arith.constant 0 : i32
    %dma_start3A_229 = arith.constant 0 : i32
    %dma_start3A_230 = tpu.memref_slice %arg4[%dma_start3A_228, %dma_start3A_229] : memref<320000x16xf32, #tpu.memory_space<hbm>> -> memref<320000x16xf32, #tpu.memory_space<hbm>>
    tpu.enqueue_indirect_dma source(%dma_start3A_230 : memref<320000x16xf32, #tpu.memory_space<hbm>>) target(%arg13 : memref<128x16xf32, #tpu.memory_space<vmem>>) offsets(%dma_start3A_227 : memref<128xi32, #tpu.memory_space<vmem>>) semaphore(%arg23 : memref<!tpu.dma_semaphore, #tpu.memory_space<semaphore_mem>>)
    %barrier3A = arith.constant 0 : index
    tpu.barrier barrier_id(%barrier3A)
    %scan3A_231 = arith.constant 0 : i32
    %scan3A_232 = arith.constant 0 : i32
    %scan3A_233 = arith.constant 20 : i32
    %scan3A_234 = arith.addi %scan3A_232, %scan3A_233 : i32
    %scan3A_235 = arith.constant 1 : i32
    scf.for %scan3A_286 = %scan3A_232 to %scan3A_234 step %scan3A_235  : i32 {
      %mul3A_287 = arith.constant 4 : i32
      %mul3A_288 = arith.muli %mul3A_287, %scan3A_286 : i32
      %add3A_289 = arith.constant 0 : i32
      %add3A_290 = arith.addi %mul3A_288, %add3A_289 : i32
      %dma_wait3A_291 = arith.constant 0 : i32
      %dma_wait3A_292 = arith.constant 0 : i32
      %dma_wait3A_293 = tpu.memref_slice %arg7[%dma_wait3A_291, %dma_wait3A_292] : memref<4x128xi32, #tpu.memory_space<vmem>> -> memref<1x128xi32, #tpu.memory_space<vmem>>
      %dma_wait3A_294 = tpu.memref_squeeze %dma_wait3A_293 : memref<1x128xi32, #tpu.memory_space<vmem>> -> memref<128xi32, #tpu.memory_space<vmem>>
      %dma_wait3A_295 = arith.constant 0 : i32
      %dma_wait3A_296 = arith.constant 0 : i32
      %dma_wait3A_297 = tpu.memref_slice %arg3[%dma_wait3A_295, %dma_wait3A_296] : memref<10000x128xf32, #tpu.memory_space<hbm>> -> memref<10000x128xf32, #tpu.memory_space<hbm>>
      tpu.wait_indirect_dma semaphore(%arg21 : memref<!tpu.dma_semaphore, #tpu.memory_space<semaphore_mem>>) src(%dma_wait3A_297 : memref<10000x128xf32, #tpu.memory_space<hbm>>) dst(%arg11 : memref<128x128xf32, #tpu.memory_space<vmem>>)
      %dma_wait3A_298 = arith.constant 2 : i32
      %dma_wait3A_299 = arith.constant 0 : i32
      %dma_wait3A_300 = tpu.memref_slice %arg7[%dma_wait3A_298, %dma_wait3A_299] : memref<4x128xi32, #tpu.memory_space<vmem>> -> memref<1x128xi32, #tpu.memory_space<vmem>>
      %dma_wait3A_301 = tpu.memref_squeeze %dma_wait3A_300 : memref<1x128xi32, #tpu.memory_space<vmem>> -> memref<128xi32, #tpu.memory_space<vmem>>
      %dma_wait3A_302 = arith.constant 0 : i32
      %dma_wait3A_303 = arith.constant 0 : i32
      %dma_wait3A_304 = tpu.memref_slice %arg4[%dma_wait3A_302, %dma_wait3A_303] : memref<320000x16xf32, #tpu.memory_space<hbm>> -> memref<320000x16xf32, #tpu.memory_space<hbm>>
      tpu.wait_indirect_dma semaphore(%arg23 : memref<!tpu.dma_semaphore, #tpu.memory_space<semaphore_mem>>) src(%dma_wait3A_304 : memref<320000x16xf32, #tpu.memory_space<hbm>>) dst(%arg13 : memref<128x16xf32, #tpu.memory_space<vmem>>)
      %dma_start3A_305 = arith.constant 1 : i32
      %dma_start3A_306 = arith.constant 0 : i32
      %dma_start3A_307 = tpu.memref_slice %arg7[%dma_start3A_305, %dma_start3A_306] : memref<4x128xi32, #tpu.memory_space<vmem>> -> memref<1x128xi32, #tpu.memory_space<vmem>>
      %dma_start3A_308 = tpu.memref_squeeze %dma_start3A_307 : memref<1x128xi32, #tpu.memory_space<vmem>> -> memref<128xi32, #tpu.memory_space<vmem>>
      %dma_start3A_309 = arith.constant 0 : i32
      %dma_start3A_310 = arith.constant 0 : i32
      %dma_start3A_311 = tpu.memref_slice %arg15[%dma_start3A_309, %dma_start3A_310] : memref<10112x128xf32, #tpu.memory_space<vmem_shared>> -> memref<10112x128xf32, #tpu.memory_space<vmem_shared>>
      tpu.enqueue_indirect_dma source(%arg11 : memref<128x128xf32, #tpu.memory_space<vmem>>) target(%dma_start3A_311 : memref<10112x128xf32, #tpu.memory_space<vmem_shared>>) offsets(%dma_start3A_308 : memref<128xi32, #tpu.memory_space<vmem>>) semaphore(%arg25 : memref<!tpu.dma_semaphore, #tpu.memory_space<semaphore_mem>>) {add = true}
      %dma_start3A_312 = arith.constant 3 : i32
      %dma_start3A_313 = arith.constant 0 : i32
      %dma_start3A_314 = tpu.memref_slice %arg7[%dma_start3A_312, %dma_start3A_313] : memref<4x128xi32, #tpu.memory_space<vmem>> -> memref<1x128xi32, #tpu.memory_space<vmem>>
      %dma_start3A_315 = tpu.memref_squeeze %dma_start3A_314 : memref<1x128xi32, #tpu.memory_space<vmem>> -> memref<128xi32, #tpu.memory_space<vmem>>
      %dma_start3A_316 = arith.constant 0 : i32
      %dma_start3A_317 = arith.constant 0 : i32
      %dma_start3A_318 = tpu.memref_slice %arg16[%dma_start3A_316, %dma_start3A_317] : memref<10112x16xf32, #tpu.memory_space<vmem_shared>> -> memref<10112x16xf32, #tpu.memory_space<vmem_shared>>
      tpu.enqueue_indirect_dma source(%arg13 : memref<128x16xf32, #tpu.memory_space<vmem>>) target(%dma_start3A_318 : memref<10112x16xf32, #tpu.memory_space<vmem_shared>>) offsets(%dma_start3A_315 : memref<128xi32, #tpu.memory_space<vmem>>) semaphore(%arg27 : memref<!tpu.dma_semaphore, #tpu.memory_space<semaphore_mem>>) {add = true}
      %add3A_319 = arith.constant 1 : i32
      %add3A_320 = arith.addi %add3A_290, %add3A_319 : i32
      %lt3A_321 = arith.constant 80 : i32
      %lt3A_322 = arith.cmpi slt, %add3A_320, %lt3A_321 : i32
      %convert_element_type3A = arith.extui %lt3A_322 : i1 to i32
      %cond3A = arith.constant 0 : i32
      %cond3A_323 = arith.cmpi ne, %convert_element_type3A, %cond3A : i32
      scf.if %cond3A_323 {
        %add3A_469 = arith.constant 1 : i32
        %add3A_470 = arith.addi %add3A_290, %add3A_469 : i32
        %lt3A_471 = arith.cmpi slt, %add3A_470, %add3A_4 : i32
        %add3A_472 = arith.addi %add3A_8, %add3A_470 : i32
        %add3A_473 = arith.constant 2500 : i32
        %add3A_474 = arith.addi %add3A_473, %sub3A : i32
        %sub3A_475 = arith.subi %add3A_470, %add3A_4 : i32
        %add3A_476 = arith.addi %add3A_474, %sub3A_475 : i32
        %select_n3A_477 = arith.select %lt3A_471, %add3A_472, %add3A_476 : i32
        %dma_wait3A_478 = arith.constant 0 : i32
        %dma_wait3A_479 = arith.constant 0 : i32
        %dma_wait3A_480 = tpu.memref_slice %arg2[%select_n3A_477, %dma_wait3A_478, %dma_wait3A_479] : memref<2560x4x128xi32, #tpu.memory_space<hbm>> -> memref<1x4x128xi32, #tpu.memory_space<hbm>>
        %dma_wait3A_481 = tpu.memref_squeeze %dma_wait3A_480 : memref<1x4x128xi32, #tpu.memory_space<hbm>> -> memref<4x128xi32, #tpu.memory_space<hbm>>
        %dma_wait3A_482 = arith.constant 0 : i32
        %dma_wait3A_483 = arith.constant 0 : i32
        %dma_wait3A_484 = tpu.memref_slice %arg2[%select_n3A_477, %dma_wait3A_482, %dma_wait3A_483] : memref<2560x4x128xi32, #tpu.memory_space<hbm>> -> memref<1x4x128xi32, #tpu.memory_space<hbm>>
        %dma_wait3A_485 = tpu.memref_squeeze %dma_wait3A_484 : memref<1x4x128xi32, #tpu.memory_space<hbm>> -> memref<4x128xi32, #tpu.memory_space<hbm>>
        tpu.wait_dma2 semaphore(%arg18 : memref<!tpu.dma_semaphore, #tpu.memory_space<semaphore_mem>>) src(%dma_wait3A_485 : memref<4x128xi32, #tpu.memory_space<hbm>>) dst(%arg8 : memref<4x128xi32, #tpu.memory_space<vmem>>)
        %ge3A = arith.constant 1 : i32
        %ge3A_486 = arith.cmpi sge, %add3A_290, %ge3A : i32
        %convert_element_type3A_487 = arith.extui %ge3A_486 : i1 to i32
        %cond3A_488 = arith.constant 0 : i32
        %cond3A_489 = arith.cmpi ne, %convert_element_type3A_487, %cond3A_488 : i32
        scf.if %cond3A_489 {
          %dma_wait3A_504 = arith.constant 1 : i32
          %dma_wait3A_505 = arith.constant 0 : i32
          %dma_wait3A_506 = tpu.memref_slice %arg10[%dma_wait3A_504, %dma_wait3A_505] : memref<4x128xi32, #tpu.memory_space<vmem>> -> memref<1x128xi32, #tpu.memory_space<vmem>>
          %dma_wait3A_507 = tpu.memref_squeeze %dma_wait3A_506 : memref<1x128xi32, #tpu.memory_space<vmem>> -> memref<128xi32, #tpu.memory_space<vmem>>
          %dma_wait3A_508 = arith.constant 0 : i32
          %dma_wait3A_509 = arith.constant 0 : i32
          %dma_wait3A_510 = tpu.memref_slice %arg15[%dma_wait3A_508, %dma_wait3A_509] : memref<10112x128xf32, #tpu.memory_space<vmem_shared>> -> memref<10112x128xf32, #tpu.memory_space<vmem_shared>>
          tpu.wait_indirect_dma semaphore(%arg26 : memref<!tpu.dma_semaphore, #tpu.memory_space<semaphore_mem>>) src(%arg12 : memref<128x128xf32, #tpu.memory_space<vmem>>) dst(%dma_wait3A_510 : memref<10112x128xf32, #tpu.memory_space<vmem_shared>>)
          %dma_wait3A_511 = arith.constant 3 : i32
          %dma_wait3A_512 = arith.constant 0 : i32
          %dma_wait3A_513 = tpu.memref_slice %arg10[%dma_wait3A_511, %dma_wait3A_512] : memref<4x128xi32, #tpu.memory_space<vmem>> -> memref<1x128xi32, #tpu.memory_space<vmem>>
          %dma_wait3A_514 = tpu.memref_squeeze %dma_wait3A_513 : memref<1x128xi32, #tpu.memory_space<vmem>> -> memref<128xi32, #tpu.memory_space<vmem>>
          %dma_wait3A_515 = arith.constant 0 : i32
          %dma_wait3A_516 = arith.constant 0 : i32
          %dma_wait3A_517 = tpu.memref_slice %arg16[%dma_wait3A_515, %dma_wait3A_516] : memref<10112x16xf32, #tpu.memory_space<vmem_shared>> -> memref<10112x16xf32, #tpu.memory_space<vmem_shared>>
          tpu.wait_indirect_dma semaphore(%arg28 : memref<!tpu.dma_semaphore, #tpu.memory_space<semaphore_mem>>) src(%arg14 : memref<128x16xf32, #tpu.memory_space<vmem>>) dst(%dma_wait3A_517 : memref<10112x16xf32, #tpu.memory_space<vmem_shared>>)
        } else {
        }
        %dma_start3A_490 = arith.constant 0 : i32
        %dma_start3A_491 = arith.constant 0 : i32
        %dma_start3A_492 = tpu.memref_slice %arg8[%dma_start3A_490, %dma_start3A_491] : memref<4x128xi32, #tpu.memory_space<vmem>> -> memref<1x128xi32, #tpu.memory_space<vmem>>
        %dma_start3A_493 = tpu.memref_squeeze %dma_start3A_492 : memref<1x128xi32, #tpu.memory_space<vmem>> -> memref<128xi32, #tpu.memory_space<vmem>>
        %dma_start3A_494 = arith.constant 0 : i32
        %dma_start3A_495 = arith.constant 0 : i32
        %dma_start3A_496 = tpu.memref_slice %arg3[%dma_start3A_494, %dma_start3A_495] : memref<10000x128xf32, #tpu.memory_space<hbm>> -> memref<10000x128xf32, #tpu.memory_space<hbm>>
        tpu.enqueue_indirect_dma source(%dma_start3A_496 : memref<10000x128xf32, #tpu.memory_space<hbm>>) target(%arg12 : memref<128x128xf32, #tpu.memory_space<vmem>>) offsets(%dma_start3A_493 : memref<128xi32, #tpu.memory_space<vmem>>) semaphore(%arg22 : memref<!tpu.dma_semaphore, #tpu.memory_space<semaphore_mem>>)
        %dma_start3A_497 = arith.constant 2 : i32
        %dma_start3A_498 = arith.constant 0 : i32
        %dma_start3A_499 = tpu.memref_slice %arg8[%dma_start3A_497, %dma_start3A_498] : memref<4x128xi32, #tpu.memory_space<vmem>> -> memref<1x128xi32, #tpu.memory_space<vmem>>
        %dma_start3A_500 = tpu.memref_squeeze %dma_start3A_499 : memref<1x128xi32, #tpu.memory_space<vmem>> -> memref<128xi32, #tpu.memory_space<vmem>>
        %dma_start3A_501 = arith.constant 0 : i32
        %dma_start3A_502 = arith.constant 0 : i32
        %dma_start3A_503 = tpu.memref_slice %arg4[%dma_start3A_501, %dma_start3A_502] : memref<320000x16xf32, #tpu.memory_space<hbm>> -> memref<320000x16xf32, #tpu.memory_space<hbm>>
        tpu.enqueue_indirect_dma source(%dma_start3A_503 : memref<320000x16xf32, #tpu.memory_space<hbm>>) target(%arg14 : memref<128x16xf32, #tpu.memory_space<vmem>>) offsets(%dma_start3A_500 : memref<128xi32, #tpu.memory_space<vmem>>) semaphore(%arg24 : memref<!tpu.dma_semaphore, #tpu.memory_space<semaphore_mem>>)
      } else {
      }
      %add3A_324 = arith.constant 2 : i32
      %add3A_325 = arith.addi %add3A_290, %add3A_324 : i32
      %lt3A_326 = arith.constant 80 : i32
      %lt3A_327 = arith.cmpi slt, %add3A_325, %lt3A_326 : i32
      %convert_element_type3A_328 = arith.extui %lt3A_327 : i1 to i32
      %cond3A_329 = arith.constant 0 : i32
      %cond3A_330 = arith.cmpi ne, %convert_element_type3A_328, %cond3A_329 : i32
      scf.if %cond3A_330 {
        %add3A_469 = arith.constant 2 : i32
        %add3A_470 = arith.addi %add3A_290, %add3A_469 : i32
        %lt3A_471 = arith.cmpi slt, %add3A_470, %add3A_4 : i32
        %add3A_472 = arith.addi %add3A_8, %add3A_470 : i32
        %add3A_473 = arith.constant 2500 : i32
        %add3A_474 = arith.addi %add3A_473, %sub3A : i32
        %sub3A_475 = arith.subi %add3A_470, %add3A_4 : i32
        %add3A_476 = arith.addi %add3A_474, %sub3A_475 : i32
        %select_n3A_477 = arith.select %lt3A_471, %add3A_472, %add3A_476 : i32
        %dma_start3A_478 = arith.constant 0 : i32
        %dma_start3A_479 = arith.constant 0 : i32
        %dma_start3A_480 = tpu.memref_slice %arg2[%select_n3A_477, %dma_start3A_478, %dma_start3A_479] : memref<2560x4x128xi32, #tpu.memory_space<hbm>> -> memref<1x4x128xi32, #tpu.memory_space<hbm>>
        %dma_start3A_481 = tpu.memref_squeeze %dma_start3A_480 : memref<1x4x128xi32, #tpu.memory_space<hbm>> -> memref<4x128xi32, #tpu.memory_space<hbm>>
        %dma_start3A_482 = arith.constant 0 : i32
        %dma_start3A_483 = arith.constant 0 : i32
        %dma_start3A_484 = tpu.memref_slice %arg2[%select_n3A_477, %dma_start3A_482, %dma_start3A_483] : memref<2560x4x128xi32, #tpu.memory_space<hbm>> -> memref<1x4x128xi32, #tpu.memory_space<hbm>>
        %dma_start3A_485 = tpu.memref_squeeze %dma_start3A_484 : memref<1x4x128xi32, #tpu.memory_space<hbm>> -> memref<4x128xi32, #tpu.memory_space<hbm>>
        tpu.enqueue_dma source(%dma_start3A_485 : memref<4x128xi32, #tpu.memory_space<hbm>>) target(%arg9 : memref<4x128xi32, #tpu.memory_space<vmem>>) target_semaphore(%arg19 : memref<!tpu.dma_semaphore, #tpu.memory_space<semaphore_mem>>)
      } else {
      }
      %mul3A_331 = arith.constant 4 : i32
      %mul3A_332 = arith.muli %mul3A_331, %scan3A_286 : i32
      %add3A_333 = arith.constant 1 : i32
      %add3A_334 = arith.addi %mul3A_332, %add3A_333 : i32
      %dma_wait3A_335 = arith.constant 0 : i32
      %dma_wait3A_336 = arith.constant 0 : i32
      %dma_wait3A_337 = tpu.memref_slice %arg8[%dma_wait3A_335, %dma_wait3A_336] : memref<4x128xi32, #tpu.memory_space<vmem>> -> memref<1x128xi32, #tpu.memory_space<vmem>>
      %dma_wait3A_338 = tpu.memref_squeeze %dma_wait3A_337 : memref<1x128xi32, #tpu.memory_space<vmem>> -> memref<128xi32, #tpu.memory_space<vmem>>
      %dma_wait3A_339 = arith.constant 0 : i32
      %dma_wait3A_340 = arith.constant 0 : i32
      %dma_wait3A_341 = tpu.memref_slice %arg3[%dma_wait3A_339, %dma_wait3A_340] : memref<10000x128xf32, #tpu.memory_space<hbm>> -> memref<10000x128xf32, #tpu.memory_space<hbm>>
      tpu.wait_indirect_dma semaphore(%arg22 : memref<!tpu.dma_semaphore, #tpu.memory_space<semaphore_mem>>) src(%dma_wait3A_341 : memref<10000x128xf32, #tpu.memory_space<hbm>>) dst(%arg12 : memref<128x128xf32, #tpu.memory_space<vmem>>)
      %dma_wait3A_342 = arith.constant 2 : i32
      %dma_wait3A_343 = arith.constant 0 : i32
      %dma_wait3A_344 = tpu.memref_slice %arg8[%dma_wait3A_342, %dma_wait3A_343] : memref<4x128xi32, #tpu.memory_space<vmem>> -> memref<1x128xi32, #tpu.memory_space<vmem>>
      %dma_wait3A_345 = tpu.memref_squeeze %dma_wait3A_344 : memref<1x128xi32, #tpu.memory_space<vmem>> -> memref<128xi32, #tpu.memory_space<vmem>>
      %dma_wait3A_346 = arith.constant 0 : i32
      %dma_wait3A_347 = arith.constant 0 : i32
      %dma_wait3A_348 = tpu.memref_slice %arg4[%dma_wait3A_346, %dma_wait3A_347] : memref<320000x16xf32, #tpu.memory_space<hbm>> -> memref<320000x16xf32, #tpu.memory_space<hbm>>
      tpu.wait_indirect_dma semaphore(%arg24 : memref<!tpu.dma_semaphore, #tpu.memory_space<semaphore_mem>>) src(%dma_wait3A_348 : memref<320000x16xf32, #tpu.memory_space<hbm>>) dst(%arg14 : memref<128x16xf32, #tpu.memory_space<vmem>>)
      %dma_start3A_349 = arith.constant 1 : i32
      %dma_start3A_350 = arith.constant 0 : i32
      %dma_start3A_351 = tpu.memref_slice %arg8[%dma_start3A_349, %dma_start3A_350] : memref<4x128xi32, #tpu.memory_space<vmem>> -> memref<1x128xi32, #tpu.memory_space<vmem>>
      %dma_start3A_352 = tpu.memref_squeeze %dma_start3A_351 : memref<1x128xi32, #tpu.memory_space<vmem>> -> memref<128xi32, #tpu.memory_space<vmem>>
      %dma_start3A_353 = arith.constant 0 : i32
      %dma_start3A_354 = arith.constant 0 : i32
      %dma_start3A_355 = tpu.memref_slice %arg15[%dma_start3A_353, %dma_start3A_354] : memref<10112x128xf32, #tpu.memory_space<vmem_shared>> -> memref<10112x128xf32, #tpu.memory_space<vmem_shared>>
      tpu.enqueue_indirect_dma source(%arg12 : memref<128x128xf32, #tpu.memory_space<vmem>>) target(%dma_start3A_355 : memref<10112x128xf32, #tpu.memory_space<vmem_shared>>) offsets(%dma_start3A_352 : memref<128xi32, #tpu.memory_space<vmem>>) semaphore(%arg26 : memref<!tpu.dma_semaphore, #tpu.memory_space<semaphore_mem>>) {add = true}
      %dma_start3A_356 = arith.constant 3 : i32
      %dma_start3A_357 = arith.constant 0 : i32
      %dma_start3A_358 = tpu.memref_slice %arg8[%dma_start3A_356, %dma_start3A_357] : memref<4x128xi32, #tpu.memory_space<vmem>> -> memref<1x128xi32, #tpu.memory_space<vmem>>
      %dma_start3A_359 = tpu.memref_squeeze %dma_start3A_358 : memref<1x128xi32, #tpu.memory_space<vmem>> -> memref<128xi32, #tpu.memory_space<vmem>>
      %dma_start3A_360 = arith.constant 0 : i32
      %dma_start3A_361 = arith.constant 0 : i32
      %dma_start3A_362 = tpu.memref_slice %arg16[%dma_start3A_360, %dma_start3A_361] : memref<10112x16xf32, #tpu.memory_space<vmem_shared>> -> memref<10112x16xf32, #tpu.memory_space<vmem_shared>>
      tpu.enqueue_indirect_dma source(%arg14 : memref<128x16xf32, #tpu.memory_space<vmem>>) target(%dma_start3A_362 : memref<10112x16xf32, #tpu.memory_space<vmem_shared>>) offsets(%dma_start3A_359 : memref<128xi32, #tpu.memory_space<vmem>>) semaphore(%arg28 : memref<!tpu.dma_semaphore, #tpu.memory_space<semaphore_mem>>) {add = true}
      %add3A_363 = arith.constant 1 : i32
      %add3A_364 = arith.addi %add3A_334, %add3A_363 : i32
      %lt3A_365 = arith.constant 80 : i32
      %lt3A_366 = arith.cmpi slt, %add3A_364, %lt3A_365 : i32
      %convert_element_type3A_367 = arith.extui %lt3A_366 : i1 to i32
      %cond3A_368 = arith.constant 0 : i32
      %cond3A_369 = arith.cmpi ne, %convert_element_type3A_367, %cond3A_368 : i32
      scf.if %cond3A_369 {
        %add3A_469 = arith.constant 1 : i32
        %add3A_470 = arith.addi %add3A_334, %add3A_469 : i32
        %lt3A_471 = arith.cmpi slt, %add3A_470, %add3A_4 : i32
        %add3A_472 = arith.addi %add3A_8, %add3A_470 : i32
        %add3A_473 = arith.constant 2500 : i32
        %add3A_474 = arith.addi %add3A_473, %sub3A : i32
        %sub3A_475 = arith.subi %add3A_470, %add3A_4 : i32
        %add3A_476 = arith.addi %add3A_474, %sub3A_475 : i32
        %select_n3A_477 = arith.select %lt3A_471, %add3A_472, %add3A_476 : i32
        %dma_wait3A_478 = arith.constant 0 : i32
        %dma_wait3A_479 = arith.constant 0 : i32
        %dma_wait3A_480 = tpu.memref_slice %arg2[%select_n3A_477, %dma_wait3A_478, %dma_wait3A_479] : memref<2560x4x128xi32, #tpu.memory_space<hbm>> -> memref<1x4x128xi32, #tpu.memory_space<hbm>>
        %dma_wait3A_481 = tpu.memref_squeeze %dma_wait3A_480 : memref<1x4x128xi32, #tpu.memory_space<hbm>> -> memref<4x128xi32, #tpu.memory_space<hbm>>
        %dma_wait3A_482 = arith.constant 0 : i32
        %dma_wait3A_483 = arith.constant 0 : i32
        %dma_wait3A_484 = tpu.memref_slice %arg2[%select_n3A_477, %dma_wait3A_482, %dma_wait3A_483] : memref<2560x4x128xi32, #tpu.memory_space<hbm>> -> memref<1x4x128xi32, #tpu.memory_space<hbm>>
        %dma_wait3A_485 = tpu.memref_squeeze %dma_wait3A_484 : memref<1x4x128xi32, #tpu.memory_space<hbm>> -> memref<4x128xi32, #tpu.memory_space<hbm>>
        tpu.wait_dma2 semaphore(%arg19 : memref<!tpu.dma_semaphore, #tpu.memory_space<semaphore_mem>>) src(%dma_wait3A_485 : memref<4x128xi32, #tpu.memory_space<hbm>>) dst(%arg9 : memref<4x128xi32, #tpu.memory_space<vmem>>)
        %ge3A = arith.constant 1 : i32
        %ge3A_486 = arith.cmpi sge, %add3A_334, %ge3A : i32
        %convert_element_type3A_487 = arith.extui %ge3A_486 : i1 to i32
        %cond3A_488 = arith.constant 0 : i32
        %cond3A_489 = arith.cmpi ne, %convert_element_type3A_487, %cond3A_488 : i32
        scf.if %cond3A_489 {
          %dma_wait3A_504 = arith.constant 1 : i32
          %dma_wait3A_505 = arith.constant 0 : i32
          %dma_wait3A_506 = tpu.memref_slice %arg7[%dma_wait3A_504, %dma_wait3A_505] : memref<4x128xi32, #tpu.memory_space<vmem>> -> memref<1x128xi32, #tpu.memory_space<vmem>>
          %dma_wait3A_507 = tpu.memref_squeeze %dma_wait3A_506 : memref<1x128xi32, #tpu.memory_space<vmem>> -> memref<128xi32, #tpu.memory_space<vmem>>
          %dma_wait3A_508 = arith.constant 0 : i32
          %dma_wait3A_509 = arith.constant 0 : i32
          %dma_wait3A_510 = tpu.memref_slice %arg15[%dma_wait3A_508, %dma_wait3A_509] : memref<10112x128xf32, #tpu.memory_space<vmem_shared>> -> memref<10112x128xf32, #tpu.memory_space<vmem_shared>>
          tpu.wait_indirect_dma semaphore(%arg25 : memref<!tpu.dma_semaphore, #tpu.memory_space<semaphore_mem>>) src(%arg11 : memref<128x128xf32, #tpu.memory_space<vmem>>) dst(%dma_wait3A_510 : memref<10112x128xf32, #tpu.memory_space<vmem_shared>>)
          %dma_wait3A_511 = arith.constant 3 : i32
          %dma_wait3A_512 = arith.constant 0 : i32
          %dma_wait3A_513 = tpu.memref_slice %arg7[%dma_wait3A_511, %dma_wait3A_512] : memref<4x128xi32, #tpu.memory_space<vmem>> -> memref<1x128xi32, #tpu.memory_space<vmem>>
          %dma_wait3A_514 = tpu.memref_squeeze %dma_wait3A_513 : memref<1x128xi32, #tpu.memory_space<vmem>> -> memref<128xi32, #tpu.memory_space<vmem>>
          %dma_wait3A_515 = arith.constant 0 : i32
          %dma_wait3A_516 = arith.constant 0 : i32
          %dma_wait3A_517 = tpu.memref_slice %arg16[%dma_wait3A_515, %dma_wait3A_516] : memref<10112x16xf32, #tpu.memory_space<vmem_shared>> -> memref<10112x16xf32, #tpu.memory_space<vmem_shared>>
          tpu.wait_indirect_dma semaphore(%arg27 : memref<!tpu.dma_semaphore, #tpu.memory_space<semaphore_mem>>) src(%arg13 : memref<128x16xf32, #tpu.memory_space<vmem>>) dst(%dma_wait3A_517 : memref<10112x16xf32, #tpu.memory_space<vmem_shared>>)
        } else {
        }
        %dma_start3A_490 = arith.constant 0 : i32
        %dma_start3A_491 = arith.constant 0 : i32
        %dma_start3A_492 = tpu.memref_slice %arg9[%dma_start3A_490, %dma_start3A_491] : memref<4x128xi32, #tpu.memory_space<vmem>> -> memref<1x128xi32, #tpu.memory_space<vmem>>
        %dma_start3A_493 = tpu.memref_squeeze %dma_start3A_492 : memref<1x128xi32, #tpu.memory_space<vmem>> -> memref<128xi32, #tpu.memory_space<vmem>>
        %dma_start3A_494 = arith.constant 0 : i32
        %dma_start3A_495 = arith.constant 0 : i32
        %dma_start3A_496 = tpu.memref_slice %arg3[%dma_start3A_494, %dma_start3A_495] : memref<10000x128xf32, #tpu.memory_space<hbm>> -> memref<10000x128xf32, #tpu.memory_space<hbm>>
        tpu.enqueue_indirect_dma source(%dma_start3A_496 : memref<10000x128xf32, #tpu.memory_space<hbm>>) target(%arg11 : memref<128x128xf32, #tpu.memory_space<vmem>>) offsets(%dma_start3A_493 : memref<128xi32, #tpu.memory_space<vmem>>) semaphore(%arg21 : memref<!tpu.dma_semaphore, #tpu.memory_space<semaphore_mem>>)
        %dma_start3A_497 = arith.constant 2 : i32
        %dma_start3A_498 = arith.constant 0 : i32
        %dma_start3A_499 = tpu.memref_slice %arg9[%dma_start3A_497, %dma_start3A_498] : memref<4x128xi32, #tpu.memory_space<vmem>> -> memref<1x128xi32, #tpu.memory_space<vmem>>
        %dma_start3A_500 = tpu.memref_squeeze %dma_start3A_499 : memref<1x128xi32, #tpu.memory_space<vmem>> -> memref<128xi32, #tpu.memory_space<vmem>>
        %dma_start3A_501 = arith.constant 0 : i32
        %dma_start3A_502 = arith.constant 0 : i32
        %dma_start3A_503 = tpu.memref_slice %arg4[%dma_start3A_501, %dma_start3A_502] : memref<320000x16xf32, #tpu.memory_space<hbm>> -> memref<320000x16xf32, #tpu.memory_space<hbm>>
        tpu.enqueue_indirect_dma source(%dma_start3A_503 : memref<320000x16xf32, #tpu.memory_space<hbm>>) target(%arg13 : memref<128x16xf32, #tpu.memory_space<vmem>>) offsets(%dma_start3A_500 : memref<128xi32, #tpu.memory_space<vmem>>) semaphore(%arg23 : memref<!tpu.dma_semaphore, #tpu.memory_space<semaphore_mem>>)
      } else {
      }
      %add3A_370 = arith.constant 2 : i32
      %add3A_371 = arith.addi %add3A_334, %add3A_370 : i32
      %lt3A_372 = arith.constant 80 : i32
      %lt3A_373 = arith.cmpi slt, %add3A_371, %lt3A_372 : i32
      %convert_element_type3A_374 = arith.extui %lt3A_373 : i1 to i32
      %cond3A_375 = arith.constant 0 : i32
      %cond3A_376 = arith.cmpi ne, %convert_element_type3A_374, %cond3A_375 : i32
      scf.if %cond3A_376 {
        %add3A_469 = arith.constant 2 : i32
        %add3A_470 = arith.addi %add3A_334, %add3A_469 : i32
        %lt3A_471 = arith.cmpi slt, %add3A_470, %add3A_4 : i32
        %add3A_472 = arith.addi %add3A_8, %add3A_470 : i32
        %add3A_473 = arith.constant 2500 : i32
        %add3A_474 = arith.addi %add3A_473, %sub3A : i32
        %sub3A_475 = arith.subi %add3A_470, %add3A_4 : i32
        %add3A_476 = arith.addi %add3A_474, %sub3A_475 : i32
        %select_n3A_477 = arith.select %lt3A_471, %add3A_472, %add3A_476 : i32
        %dma_start3A_478 = arith.constant 0 : i32
        %dma_start3A_479 = arith.constant 0 : i32
        %dma_start3A_480 = tpu.memref_slice %arg2[%select_n3A_477, %dma_start3A_478, %dma_start3A_479] : memref<2560x4x128xi32, #tpu.memory_space<hbm>> -> memref<1x4x128xi32, #tpu.memory_space<hbm>>
        %dma_start3A_481 = tpu.memref_squeeze %dma_start3A_480 : memref<1x4x128xi32, #tpu.memory_space<hbm>> -> memref<4x128xi32, #tpu.memory_space<hbm>>
        %dma_start3A_482 = arith.constant 0 : i32
        %dma_start3A_483 = arith.constant 0 : i32
        %dma_start3A_484 = tpu.memref_slice %arg2[%select_n3A_477, %dma_start3A_482, %dma_start3A_483] : memref<2560x4x128xi32, #tpu.memory_space<hbm>> -> memref<1x4x128xi32, #tpu.memory_space<hbm>>
        %dma_start3A_485 = tpu.memref_squeeze %dma_start3A_484 : memref<1x4x128xi32, #tpu.memory_space<hbm>> -> memref<4x128xi32, #tpu.memory_space<hbm>>
        tpu.enqueue_dma source(%dma_start3A_485 : memref<4x128xi32, #tpu.memory_space<hbm>>) target(%arg10 : memref<4x128xi32, #tpu.memory_space<vmem>>) target_semaphore(%arg20 : memref<!tpu.dma_semaphore, #tpu.memory_space<semaphore_mem>>)
      } else {
      }
      %mul3A_377 = arith.constant 4 : i32
      %mul3A_378 = arith.muli %mul3A_377, %scan3A_286 : i32
      %add3A_379 = arith.constant 2 : i32
      %add3A_380 = arith.addi %mul3A_378, %add3A_379 : i32
      %dma_wait3A_381 = arith.constant 0 : i32
      %dma_wait3A_382 = arith.constant 0 : i32
      %dma_wait3A_383 = tpu.memref_slice %arg9[%dma_wait3A_381, %dma_wait3A_382] : memref<4x128xi32, #tpu.memory_space<vmem>> -> memref<1x128xi32, #tpu.memory_space<vmem>>
      %dma_wait3A_384 = tpu.memref_squeeze %dma_wait3A_383 : memref<1x128xi32, #tpu.memory_space<vmem>> -> memref<128xi32, #tpu.memory_space<vmem>>
      %dma_wait3A_385 = arith.constant 0 : i32
      %dma_wait3A_386 = arith.constant 0 : i32
      %dma_wait3A_387 = tpu.memref_slice %arg3[%dma_wait3A_385, %dma_wait3A_386] : memref<10000x128xf32, #tpu.memory_space<hbm>> -> memref<10000x128xf32, #tpu.memory_space<hbm>>
      tpu.wait_indirect_dma semaphore(%arg21 : memref<!tpu.dma_semaphore, #tpu.memory_space<semaphore_mem>>) src(%dma_wait3A_387 : memref<10000x128xf32, #tpu.memory_space<hbm>>) dst(%arg11 : memref<128x128xf32, #tpu.memory_space<vmem>>)
      %dma_wait3A_388 = arith.constant 2 : i32
      %dma_wait3A_389 = arith.constant 0 : i32
      %dma_wait3A_390 = tpu.memref_slice %arg9[%dma_wait3A_388, %dma_wait3A_389] : memref<4x128xi32, #tpu.memory_space<vmem>> -> memref<1x128xi32, #tpu.memory_space<vmem>>
      %dma_wait3A_391 = tpu.memref_squeeze %dma_wait3A_390 : memref<1x128xi32, #tpu.memory_space<vmem>> -> memref<128xi32, #tpu.memory_space<vmem>>
      %dma_wait3A_392 = arith.constant 0 : i32
      %dma_wait3A_393 = arith.constant 0 : i32
      %dma_wait3A_394 = tpu.memref_slice %arg4[%dma_wait3A_392, %dma_wait3A_393] : memref<320000x16xf32, #tpu.memory_space<hbm>> -> memref<320000x16xf32, #tpu.memory_space<hbm>>
      tpu.wait_indirect_dma semaphore(%arg23 : memref<!tpu.dma_semaphore, #tpu.memory_space<semaphore_mem>>) src(%dma_wait3A_394 : memref<320000x16xf32, #tpu.memory_space<hbm>>) dst(%arg13 : memref<128x16xf32, #tpu.memory_space<vmem>>)
      %dma_start3A_395 = arith.constant 1 : i32
      %dma_start3A_396 = arith.constant 0 : i32
      %dma_start3A_397 = tpu.memref_slice %arg9[%dma_start3A_395, %dma_start3A_396] : memref<4x128xi32, #tpu.memory_space<vmem>> -> memref<1x128xi32, #tpu.memory_space<vmem>>
      %dma_start3A_398 = tpu.memref_squeeze %dma_start3A_397 : memref<1x128xi32, #tpu.memory_space<vmem>> -> memref<128xi32, #tpu.memory_space<vmem>>
      %dma_start3A_399 = arith.constant 0 : i32
      %dma_start3A_400 = arith.constant 0 : i32
      %dma_start3A_401 = tpu.memref_slice %arg15[%dma_start3A_399, %dma_start3A_400] : memref<10112x128xf32, #tpu.memory_space<vmem_shared>> -> memref<10112x128xf32, #tpu.memory_space<vmem_shared>>
      tpu.enqueue_indirect_dma source(%arg11 : memref<128x128xf32, #tpu.memory_space<vmem>>) target(%dma_start3A_401 : memref<10112x128xf32, #tpu.memory_space<vmem_shared>>) offsets(%dma_start3A_398 : memref<128xi32, #tpu.memory_space<vmem>>) semaphore(%arg25 : memref<!tpu.dma_semaphore, #tpu.memory_space<semaphore_mem>>) {add = true}
      %dma_start3A_402 = arith.constant 3 : i32
      %dma_start3A_403 = arith.constant 0 : i32
      %dma_start3A_404 = tpu.memref_slice %arg9[%dma_start3A_402, %dma_start3A_403] : memref<4x128xi32, #tpu.memory_space<vmem>> -> memref<1x128xi32, #tpu.memory_space<vmem>>
      %dma_start3A_405 = tpu.memref_squeeze %dma_start3A_404 : memref<1x128xi32, #tpu.memory_space<vmem>> -> memref<128xi32, #tpu.memory_space<vmem>>
      %dma_start3A_406 = arith.constant 0 : i32
      %dma_start3A_407 = arith.constant 0 : i32
      %dma_start3A_408 = tpu.memref_slice %arg16[%dma_start3A_406, %dma_start3A_407] : memref<10112x16xf32, #tpu.memory_space<vmem_shared>> -> memref<10112x16xf32, #tpu.memory_space<vmem_shared>>
      tpu.enqueue_indirect_dma source(%arg13 : memref<128x16xf32, #tpu.memory_space<vmem>>) target(%dma_start3A_408 : memref<10112x16xf32, #tpu.memory_space<vmem_shared>>) offsets(%dma_start3A_405 : memref<128xi32, #tpu.memory_space<vmem>>) semaphore(%arg27 : memref<!tpu.dma_semaphore, #tpu.memory_space<semaphore_mem>>) {add = true}
      %add3A_409 = arith.constant 1 : i32
      %add3A_410 = arith.addi %add3A_380, %add3A_409 : i32
      %lt3A_411 = arith.constant 80 : i32
      %lt3A_412 = arith.cmpi slt, %add3A_410, %lt3A_411 : i32
      %convert_element_type3A_413 = arith.extui %lt3A_412 : i1 to i32
      %cond3A_414 = arith.constant 0 : i32
      %cond3A_415 = arith.cmpi ne, %convert_element_type3A_413, %cond3A_414 : i32
      scf.if %cond3A_415 {
        %add3A_469 = arith.constant 1 : i32
        %add3A_470 = arith.addi %add3A_380, %add3A_469 : i32
        %lt3A_471 = arith.cmpi slt, %add3A_470, %add3A_4 : i32
        %add3A_472 = arith.addi %add3A_8, %add3A_470 : i32
        %add3A_473 = arith.constant 2500 : i32
        %add3A_474 = arith.addi %add3A_473, %sub3A : i32
        %sub3A_475 = arith.subi %add3A_470, %add3A_4 : i32
        %add3A_476 = arith.addi %add3A_474, %sub3A_475 : i32
        %select_n3A_477 = arith.select %lt3A_471, %add3A_472, %add3A_476 : i32
        %dma_wait3A_478 = arith.constant 0 : i32
        %dma_wait3A_479 = arith.constant 0 : i32
        %dma_wait3A_480 = tpu.memref_slice %arg2[%select_n3A_477, %dma_wait3A_478, %dma_wait3A_479] : memref<2560x4x128xi32, #tpu.memory_space<hbm>> -> memref<1x4x128xi32, #tpu.memory_space<hbm>>
        %dma_wait3A_481 = tpu.memref_squeeze %dma_wait3A_480 : memref<1x4x128xi32, #tpu.memory_space<hbm>> -> memref<4x128xi32, #tpu.memory_space<hbm>>
        %dma_wait3A_482 = arith.constant 0 : i32
        %dma_wait3A_483 = arith.constant 0 : i32
        %dma_wait3A_484 = tpu.memref_slice %arg2[%select_n3A_477, %dma_wait3A_482, %dma_wait3A_483] : memref<2560x4x128xi32, #tpu.memory_space<hbm>> -> memref<1x4x128xi32, #tpu.memory_space<hbm>>
        %dma_wait3A_485 = tpu.memref_squeeze %dma_wait3A_484 : memref<1x4x128xi32, #tpu.memory_space<hbm>> -> memref<4x128xi32, #tpu.memory_space<hbm>>
        tpu.wait_dma2 semaphore(%arg20 : memref<!tpu.dma_semaphore, #tpu.memory_space<semaphore_mem>>) src(%dma_wait3A_485 : memref<4x128xi32, #tpu.memory_space<hbm>>) dst(%arg10 : memref<4x128xi32, #tpu.memory_space<vmem>>)
        %ge3A = arith.constant 1 : i32
        %ge3A_486 = arith.cmpi sge, %add3A_380, %ge3A : i32
        %convert_element_type3A_487 = arith.extui %ge3A_486 : i1 to i32
        %cond3A_488 = arith.constant 0 : i32
        %cond3A_489 = arith.cmpi ne, %convert_element_type3A_487, %cond3A_488 : i32
        scf.if %cond3A_489 {
          %dma_wait3A_504 = arith.constant 1 : i32
          %dma_wait3A_505 = arith.constant 0 : i32
          %dma_wait3A_506 = tpu.memref_slice %arg8[%dma_wait3A_504, %dma_wait3A_505] : memref<4x128xi32, #tpu.memory_space<vmem>> -> memref<1x128xi32, #tpu.memory_space<vmem>>
          %dma_wait3A_507 = tpu.memref_squeeze %dma_wait3A_506 : memref<1x128xi32, #tpu.memory_space<vmem>> -> memref<128xi32, #tpu.memory_space<vmem>>
          %dma_wait3A_508 = arith.constant 0 : i32
          %dma_wait3A_509 = arith.constant 0 : i32
          %dma_wait3A_510 = tpu.memref_slice %arg15[%dma_wait3A_508, %dma_wait3A_509] : memref<10112x128xf32, #tpu.memory_space<vmem_shared>> -> memref<10112x128xf32, #tpu.memory_space<vmem_shared>>
          tpu.wait_indirect_dma semaphore(%arg26 : memref<!tpu.dma_semaphore, #tpu.memory_space<semaphore_mem>>) src(%arg12 : memref<128x128xf32, #tpu.memory_space<vmem>>) dst(%dma_wait3A_510 : memref<10112x128xf32, #tpu.memory_space<vmem_shared>>)
          %dma_wait3A_511 = arith.constant 3 : i32
          %dma_wait3A_512 = arith.constant 0 : i32
          %dma_wait3A_513 = tpu.memref_slice %arg8[%dma_wait3A_511, %dma_wait3A_512] : memref<4x128xi32, #tpu.memory_space<vmem>> -> memref<1x128xi32, #tpu.memory_space<vmem>>
          %dma_wait3A_514 = tpu.memref_squeeze %dma_wait3A_513 : memref<1x128xi32, #tpu.memory_space<vmem>> -> memref<128xi32, #tpu.memory_space<vmem>>
          %dma_wait3A_515 = arith.constant 0 : i32
          %dma_wait3A_516 = arith.constant 0 : i32
          %dma_wait3A_517 = tpu.memref_slice %arg16[%dma_wait3A_515, %dma_wait3A_516] : memref<10112x16xf32, #tpu.memory_space<vmem_shared>> -> memref<10112x16xf32, #tpu.memory_space<vmem_shared>>
          tpu.wait_indirect_dma semaphore(%arg28 : memref<!tpu.dma_semaphore, #tpu.memory_space<semaphore_mem>>) src(%arg14 : memref<128x16xf32, #tpu.memory_space<vmem>>) dst(%dma_wait3A_517 : memref<10112x16xf32, #tpu.memory_space<vmem_shared>>)
        } else {
        }
        %dma_start3A_490 = arith.constant 0 : i32
        %dma_start3A_491 = arith.constant 0 : i32
        %dma_start3A_492 = tpu.memref_slice %arg10[%dma_start3A_490, %dma_start3A_491] : memref<4x128xi32, #tpu.memory_space<vmem>> -> memref<1x128xi32, #tpu.memory_space<vmem>>
        %dma_start3A_493 = tpu.memref_squeeze %dma_start3A_492 : memref<1x128xi32, #tpu.memory_space<vmem>> -> memref<128xi32, #tpu.memory_space<vmem>>
        %dma_start3A_494 = arith.constant 0 : i32
        %dma_start3A_495 = arith.constant 0 : i32
        %dma_start3A_496 = tpu.memref_slice %arg3[%dma_start3A_494, %dma_start3A_495] : memref<10000x128xf32, #tpu.memory_space<hbm>> -> memref<10000x128xf32, #tpu.memory_space<hbm>>
        tpu.enqueue_indirect_dma source(%dma_start3A_496 : memref<10000x128xf32, #tpu.memory_space<hbm>>) target(%arg12 : memref<128x128xf32, #tpu.memory_space<vmem>>) offsets(%dma_start3A_493 : memref<128xi32, #tpu.memory_space<vmem>>) semaphore(%arg22 : memref<!tpu.dma_semaphore, #tpu.memory_space<semaphore_mem>>)
        %dma_start3A_497 = arith.constant 2 : i32
        %dma_start3A_498 = arith.constant 0 : i32
        %dma_start3A_499 = tpu.memref_slice %arg10[%dma_start3A_497, %dma_start3A_498] : memref<4x128xi32, #tpu.memory_space<vmem>> -> memref<1x128xi32, #tpu.memory_space<vmem>>
        %dma_start3A_500 = tpu.memref_squeeze %dma_start3A_499 : memref<1x128xi32, #tpu.memory_space<vmem>> -> memref<128xi32, #tpu.memory_space<vmem>>
        %dma_start3A_501 = arith.constant 0 : i32
        %dma_start3A_502 = arith.constant 0 : i32
        %dma_start3A_503 = tpu.memref_slice %arg4[%dma_start3A_501, %dma_start3A_502] : memref<320000x16xf32, #tpu.memory_space<hbm>> -> memref<320000x16xf32, #tpu.memory_space<hbm>>
        tpu.enqueue_indirect_dma source(%dma_start3A_503 : memref<320000x16xf32, #tpu.memory_space<hbm>>) target(%arg14 : memref<128x16xf32, #tpu.memory_space<vmem>>) offsets(%dma_start3A_500 : memref<128xi32, #tpu.memory_space<vmem>>) semaphore(%arg24 : memref<!tpu.dma_semaphore, #tpu.memory_space<semaphore_mem>>)
      } else {
      }
      %add3A_416 = arith.constant 2 : i32
      %add3A_417 = arith.addi %add3A_380, %add3A_416 : i32
      %lt3A_418 = arith.constant 80 : i32
      %lt3A_419 = arith.cmpi slt, %add3A_417, %lt3A_418 : i32
      %convert_element_type3A_420 = arith.extui %lt3A_419 : i1 to i32
      %cond3A_421 = arith.constant 0 : i32
      %cond3A_422 = arith.cmpi ne, %convert_element_type3A_420, %cond3A_421 : i32
      scf.if %cond3A_422 {
        %add3A_469 = arith.constant 2 : i32
        %add3A_470 = arith.addi %add3A_380, %add3A_469 : i32
        %lt3A_471 = arith.cmpi slt, %add3A_470, %add3A_4 : i32
        %add3A_472 = arith.addi %add3A_8, %add3A_470 : i32
        %add3A_473 = arith.constant 2500 : i32
        %add3A_474 = arith.addi %add3A_473, %sub3A : i32
        %sub3A_475 = arith.subi %add3A_470, %add3A_4 : i32
        %add3A_476 = arith.addi %add3A_474, %sub3A_475 : i32
        %select_n3A_477 = arith.select %lt3A_471, %add3A_472, %add3A_476 : i32
        %dma_start3A_478 = arith.constant 0 : i32
        %dma_start3A_479 = arith.constant 0 : i32
        %dma_start3A_480 = tpu.memref_slice %arg2[%select_n3A_477, %dma_start3A_478, %dma_start3A_479] : memref<2560x4x128xi32, #tpu.memory_space<hbm>> -> memref<1x4x128xi32, #tpu.memory_space<hbm>>
        %dma_start3A_481 = tpu.memref_squeeze %dma_start3A_480 : memref<1x4x128xi32, #tpu.memory_space<hbm>> -> memref<4x128xi32, #tpu.memory_space<hbm>>
        %dma_start3A_482 = arith.constant 0 : i32
        %dma_start3A_483 = arith.constant 0 : i32
        %dma_start3A_484 = tpu.memref_slice %arg2[%select_n3A_477, %dma_start3A_482, %dma_start3A_483] : memref<2560x4x128xi32, #tpu.memory_space<hbm>> -> memref<1x4x128xi32, #tpu.memory_space<hbm>>
        %dma_start3A_485 = tpu.memref_squeeze %dma_start3A_484 : memref<1x4x128xi32, #tpu.memory_space<hbm>> -> memref<4x128xi32, #tpu.memory_space<hbm>>
        tpu.enqueue_dma source(%dma_start3A_485 : memref<4x128xi32, #tpu.memory_space<hbm>>) target(%arg7 : memref<4x128xi32, #tpu.memory_space<vmem>>) target_semaphore(%arg17 : memref<!tpu.dma_semaphore, #tpu.memory_space<semaphore_mem>>)
      } else {
      }
      %mul3A_423 = arith.constant 4 : i32
      %mul3A_424 = arith.muli %mul3A_423, %scan3A_286 : i32
      %add3A_425 = arith.constant 3 : i32
      %add3A_426 = arith.addi %mul3A_424, %add3A_425 : i32
      %dma_wait3A_427 = arith.constant 0 : i32
      %dma_wait3A_428 = arith.constant 0 : i32
      %dma_wait3A_429 = tpu.memref_slice %arg10[%dma_wait3A_427, %dma_wait3A_428] : memref<4x128xi32, #tpu.memory_space<vmem>> -> memref<1x128xi32, #tpu.memory_space<vmem>>
      %dma_wait3A_430 = tpu.memref_squeeze %dma_wait3A_429 : memref<1x128xi32, #tpu.memory_space<vmem>> -> memref<128xi32, #tpu.memory_space<vmem>>
      %dma_wait3A_431 = arith.constant 0 : i32
      %dma_wait3A_432 = arith.constant 0 : i32
      %dma_wait3A_433 = tpu.memref_slice %arg3[%dma_wait3A_431, %dma_wait3A_432] : memref<10000x128xf32, #tpu.memory_space<hbm>> -> memref<10000x128xf32, #tpu.memory_space<hbm>>
      tpu.wait_indirect_dma semaphore(%arg22 : memref<!tpu.dma_semaphore, #tpu.memory_space<semaphore_mem>>) src(%dma_wait3A_433 : memref<10000x128xf32, #tpu.memory_space<hbm>>) dst(%arg12 : memref<128x128xf32, #tpu.memory_space<vmem>>)
      %dma_wait3A_434 = arith.constant 2 : i32
      %dma_wait3A_435 = arith.constant 0 : i32
      %dma_wait3A_436 = tpu.memref_slice %arg10[%dma_wait3A_434, %dma_wait3A_435] : memref<4x128xi32, #tpu.memory_space<vmem>> -> memref<1x128xi32, #tpu.memory_space<vmem>>
      %dma_wait3A_437 = tpu.memref_squeeze %dma_wait3A_436 : memref<1x128xi32, #tpu.memory_space<vmem>> -> memref<128xi32, #tpu.memory_space<vmem>>
      %dma_wait3A_438 = arith.constant 0 : i32
      %dma_wait3A_439 = arith.constant 0 : i32
      %dma_wait3A_440 = tpu.memref_slice %arg4[%dma_wait3A_438, %dma_wait3A_439] : memref<320000x16xf32, #tpu.memory_space<hbm>> -> memref<320000x16xf32, #tpu.memory_space<hbm>>
      tpu.wait_indirect_dma semaphore(%arg24 : memref<!tpu.dma_semaphore, #tpu.memory_space<semaphore_mem>>) src(%dma_wait3A_440 : memref<320000x16xf32, #tpu.memory_space<hbm>>) dst(%arg14 : memref<128x16xf32, #tpu.memory_space<vmem>>)
      %dma_start3A_441 = arith.constant 1 : i32
      %dma_start3A_442 = arith.constant 0 : i32
      %dma_start3A_443 = tpu.memref_slice %arg10[%dma_start3A_441, %dma_start3A_442] : memref<4x128xi32, #tpu.memory_space<vmem>> -> memref<1x128xi32, #tpu.memory_space<vmem>>
      %dma_start3A_444 = tpu.memref_squeeze %dma_start3A_443 : memref<1x128xi32, #tpu.memory_space<vmem>> -> memref<128xi32, #tpu.memory_space<vmem>>
      %dma_start3A_445 = arith.constant 0 : i32
      %dma_start3A_446 = arith.constant 0 : i32
      %dma_start3A_447 = tpu.memref_slice %arg15[%dma_start3A_445, %dma_start3A_446] : memref<10112x128xf32, #tpu.memory_space<vmem_shared>> -> memref<10112x128xf32, #tpu.memory_space<vmem_shared>>
      tpu.enqueue_indirect_dma source(%arg12 : memref<128x128xf32, #tpu.memory_space<vmem>>) target(%dma_start3A_447 : memref<10112x128xf32, #tpu.memory_space<vmem_shared>>) offsets(%dma_start3A_444 : memref<128xi32, #tpu.memory_space<vmem>>) semaphore(%arg26 : memref<!tpu.dma_semaphore, #tpu.memory_space<semaphore_mem>>) {add = true}
      %dma_start3A_448 = arith.constant 3 : i32
      %dma_start3A_449 = arith.constant 0 : i32
      %dma_start3A_450 = tpu.memref_slice %arg10[%dma_start3A_448, %dma_start3A_449] : memref<4x128xi32, #tpu.memory_space<vmem>> -> memref<1x128xi32, #tpu.memory_space<vmem>>
      %dma_start3A_451 = tpu.memref_squeeze %dma_start3A_450 : memref<1x128xi32, #tpu.memory_space<vmem>> -> memref<128xi32, #tpu.memory_space<vmem>>
      %dma_start3A_452 = arith.constant 0 : i32
      %dma_start3A_453 = arith.constant 0 : i32
      %dma_start3A_454 = tpu.memref_slice %arg16[%dma_start3A_452, %dma_start3A_453] : memref<10112x16xf32, #tpu.memory_space<vmem_shared>> -> memref<10112x16xf32, #tpu.memory_space<vmem_shared>>
      tpu.enqueue_indirect_dma source(%arg14 : memref<128x16xf32, #tpu.memory_space<vmem>>) target(%dma_start3A_454 : memref<10112x16xf32, #tpu.memory_space<vmem_shared>>) offsets(%dma_start3A_451 : memref<128xi32, #tpu.memory_space<vmem>>) semaphore(%arg28 : memref<!tpu.dma_semaphore, #tpu.memory_space<semaphore_mem>>) {add = true}
      %add3A_455 = arith.constant 1 : i32
      %add3A_456 = arith.addi %add3A_426, %add3A_455 : i32
      %lt3A_457 = arith.constant 80 : i32
      %lt3A_458 = arith.cmpi slt, %add3A_456, %lt3A_457 : i32
      %convert_element_type3A_459 = arith.extui %lt3A_458 : i1 to i32
      %cond3A_460 = arith.constant 0 : i32
      %cond3A_461 = arith.cmpi ne, %convert_element_type3A_459, %cond3A_460 : i32
      scf.if %cond3A_461 {
        %add3A_469 = arith.constant 1 : i32
        %add3A_470 = arith.addi %add3A_426, %add3A_469 : i32
        %lt3A_471 = arith.cmpi slt, %add3A_470, %add3A_4 : i32
        %add3A_472 = arith.addi %add3A_8, %add3A_470 : i32
        %add3A_473 = arith.constant 2500 : i32
        %add3A_474 = arith.addi %add3A_473, %sub3A : i32
        %sub3A_475 = arith.subi %add3A_470, %add3A_4 : i32
        %add3A_476 = arith.addi %add3A_474, %sub3A_475 : i32
        %select_n3A_477 = arith.select %lt3A_471, %add3A_472, %add3A_476 : i32
        %dma_wait3A_478 = arith.constant 0 : i32
        %dma_wait3A_479 = arith.constant 0 : i32
        %dma_wait3A_480 = tpu.memref_slice %arg2[%select_n3A_477, %dma_wait3A_478, %dma_wait3A_479] : memref<2560x4x128xi32, #tpu.memory_space<hbm>> -> memref<1x4x128xi32, #tpu.memory_space<hbm>>
        %dma_wait3A_481 = tpu.memref_squeeze %dma_wait3A_480 : memref<1x4x128xi32, #tpu.memory_space<hbm>> -> memref<4x128xi32, #tpu.memory_space<hbm>>
        %dma_wait3A_482 = arith.constant 0 : i32
        %dma_wait3A_483 = arith.constant 0 : i32
        %dma_wait3A_484 = tpu.memref_slice %arg2[%select_n3A_477, %dma_wait3A_482, %dma_wait3A_483] : memref<2560x4x128xi32, #tpu.memory_space<hbm>> -> memref<1x4x128xi32, #tpu.memory_space<hbm>>
        %dma_wait3A_485 = tpu.memref_squeeze %dma_wait3A_484 : memref<1x4x128xi32, #tpu.memory_space<hbm>> -> memref<4x128xi32, #tpu.memory_space<hbm>>
        tpu.wait_dma2 semaphore(%arg17 : memref<!tpu.dma_semaphore, #tpu.memory_space<semaphore_mem>>) src(%dma_wait3A_485 : memref<4x128xi32, #tpu.memory_space<hbm>>) dst(%arg7 : memref<4x128xi32, #tpu.memory_space<vmem>>)
        %ge3A = arith.constant 1 : i32
        %ge3A_486 = arith.cmpi sge, %add3A_426, %ge3A : i32
        %convert_element_type3A_487 = arith.extui %ge3A_486 : i1 to i32
        %cond3A_488 = arith.constant 0 : i32
        %cond3A_489 = arith.cmpi ne, %convert_element_type3A_487, %cond3A_488 : i32
        scf.if %cond3A_489 {
          %dma_wait3A_504 = arith.constant 1 : i32
          %dma_wait3A_505 = arith.constant 0 : i32
          %dma_wait3A_506 = tpu.memref_slice %arg9[%dma_wait3A_504, %dma_wait3A_505] : memref<4x128xi32, #tpu.memory_space<vmem>> -> memref<1x128xi32, #tpu.memory_space<vmem>>
          %dma_wait3A_507 = tpu.memref_squeeze %dma_wait3A_506 : memref<1x128xi32, #tpu.memory_space<vmem>> -> memref<128xi32, #tpu.memory_space<vmem>>
          %dma_wait3A_508 = arith.constant 0 : i32
          %dma_wait3A_509 = arith.constant 0 : i32
          %dma_wait3A_510 = tpu.memref_slice %arg15[%dma_wait3A_508, %dma_wait3A_509] : memref<10112x128xf32, #tpu.memory_space<vmem_shared>> -> memref<10112x128xf32, #tpu.memory_space<vmem_shared>>
          tpu.wait_indirect_dma semaphore(%arg25 : memref<!tpu.dma_semaphore, #tpu.memory_space<semaphore_mem>>) src(%arg11 : memref<128x128xf32, #tpu.memory_space<vmem>>) dst(%dma_wait3A_510 : memref<10112x128xf32, #tpu.memory_space<vmem_shared>>)
          %dma_wait3A_511 = arith.constant 3 : i32
          %dma_wait3A_512 = arith.constant 0 : i32
          %dma_wait3A_513 = tpu.memref_slice %arg9[%dma_wait3A_511, %dma_wait3A_512] : memref<4x128xi32, #tpu.memory_space<vmem>> -> memref<1x128xi32, #tpu.memory_space<vmem>>
          %dma_wait3A_514 = tpu.memref_squeeze %dma_wait3A_513 : memref<1x128xi32, #tpu.memory_space<vmem>> -> memref<128xi32, #tpu.memory_space<vmem>>
          %dma_wait3A_515 = arith.constant 0 : i32
          %dma_wait3A_516 = arith.constant 0 : i32
          %dma_wait3A_517 = tpu.memref_slice %arg16[%dma_wait3A_515, %dma_wait3A_516] : memref<10112x16xf32, #tpu.memory_space<vmem_shared>> -> memref<10112x16xf32, #tpu.memory_space<vmem_shared>>
          tpu.wait_indirect_dma semaphore(%arg27 : memref<!tpu.dma_semaphore, #tpu.memory_space<semaphore_mem>>) src(%arg13 : memref<128x16xf32, #tpu.memory_space<vmem>>) dst(%dma_wait3A_517 : memref<10112x16xf32, #tpu.memory_space<vmem_shared>>)
        } else {
        }
        %dma_start3A_490 = arith.constant 0 : i32
        %dma_start3A_491 = arith.constant 0 : i32
        %dma_start3A_492 = tpu.memref_slice %arg7[%dma_start3A_490, %dma_start3A_491] : memref<4x128xi32, #tpu.memory_space<vmem>> -> memref<1x128xi32, #tpu.memory_space<vmem>>
        %dma_start3A_493 = tpu.memref_squeeze %dma_start3A_492 : memref<1x128xi32, #tpu.memory_space<vmem>> -> memref<128xi32, #tpu.memory_space<vmem>>
        %dma_start3A_494 = arith.constant 0 : i32
        %dma_start3A_495 = arith.constant 0 : i32
        %dma_start3A_496 = tpu.memref_slice %arg3[%dma_start3A_494, %dma_start3A_495] : memref<10000x128xf32, #tpu.memory_space<hbm>> -> memref<10000x128xf32, #tpu.memory_space<hbm>>
        tpu.enqueue_indirect_dma source(%dma_start3A_496 : memref<10000x128xf32, #tpu.memory_space<hbm>>) target(%arg11 : memref<128x128xf32, #tpu.memory_space<vmem>>) offsets(%dma_start3A_493 : memref<128xi32, #tpu.memory_space<vmem>>) semaphore(%arg21 : memref<!tpu.dma_semaphore, #tpu.memory_space<semaphore_mem>>)
        %dma_start3A_497 = arith.constant 2 : i32
        %dma_start3A_498 = arith.constant 0 : i32
        %dma_start3A_499 = tpu.memref_slice %arg7[%dma_start3A_497, %dma_start3A_498] : memref<4x128xi32, #tpu.memory_space<vmem>> -> memref<1x128xi32, #tpu.memory_space<vmem>>
        %dma_start3A_500 = tpu.memref_squeeze %dma_start3A_499 : memref<1x128xi32, #tpu.memory_space<vmem>> -> memref<128xi32, #tpu.memory_space<vmem>>
        %dma_start3A_501 = arith.constant 0 : i32
        %dma_start3A_502 = arith.constant 0 : i32
        %dma_start3A_503 = tpu.memref_slice %arg4[%dma_start3A_501, %dma_start3A_502] : memref<320000x16xf32, #tpu.memory_space<hbm>> -> memref<320000x16xf32, #tpu.memory_space<hbm>>
        tpu.enqueue_indirect_dma source(%dma_start3A_503 : memref<320000x16xf32, #tpu.memory_space<hbm>>) target(%arg13 : memref<128x16xf32, #tpu.memory_space<vmem>>) offsets(%dma_start3A_500 : memref<128xi32, #tpu.memory_space<vmem>>) semaphore(%arg23 : memref<!tpu.dma_semaphore, #tpu.memory_space<semaphore_mem>>)
      } else {
      }
      %add3A_462 = arith.constant 2 : i32
      %add3A_463 = arith.addi %add3A_426, %add3A_462 : i32
      %lt3A_464 = arith.constant 80 : i32
      %lt3A_465 = arith.cmpi slt, %add3A_463, %lt3A_464 : i32
      %convert_element_type3A_466 = arith.extui %lt3A_465 : i1 to i32
      %cond3A_467 = arith.constant 0 : i32
      %cond3A_468 = arith.cmpi ne, %convert_element_type3A_466, %cond3A_467 : i32
      scf.if %cond3A_468 {
        %add3A_469 = arith.constant 2 : i32
        %add3A_470 = arith.addi %add3A_426, %add3A_469 : i32
        %lt3A_471 = arith.cmpi slt, %add3A_470, %add3A_4 : i32
        %add3A_472 = arith.addi %add3A_8, %add3A_470 : i32
        %add3A_473 = arith.constant 2500 : i32
        %add3A_474 = arith.addi %add3A_473, %sub3A : i32
        %sub3A_475 = arith.subi %add3A_470, %add3A_4 : i32
        %add3A_476 = arith.addi %add3A_474, %sub3A_475 : i32
        %select_n3A_477 = arith.select %lt3A_471, %add3A_472, %add3A_476 : i32
        %dma_start3A_478 = arith.constant 0 : i32
        %dma_start3A_479 = arith.constant 0 : i32
        %dma_start3A_480 = tpu.memref_slice %arg2[%select_n3A_477, %dma_start3A_478, %dma_start3A_479] : memref<2560x4x128xi32, #tpu.memory_space<hbm>> -> memref<1x4x128xi32, #tpu.memory_space<hbm>>
        %dma_start3A_481 = tpu.memref_squeeze %dma_start3A_480 : memref<1x4x128xi32, #tpu.memory_space<hbm>> -> memref<4x128xi32, #tpu.memory_space<hbm>>
        %dma_start3A_482 = arith.constant 0 : i32
        %dma_start3A_483 = arith.constant 0 : i32
        %dma_start3A_484 = tpu.memref_slice %arg2[%select_n3A_477, %dma_start3A_482, %dma_start3A_483] : memref<2560x4x128xi32, #tpu.memory_space<hbm>> -> memref<1x4x128xi32, #tpu.memory_space<hbm>>
        %dma_start3A_485 = tpu.memref_squeeze %dma_start3A_484 : memref<1x4x128xi32, #tpu.memory_space<hbm>> -> memref<4x128xi32, #tpu.memory_space<hbm>>
        tpu.enqueue_dma source(%dma_start3A_485 : memref<4x128xi32, #tpu.memory_space<hbm>>) target(%arg8 : memref<4x128xi32, #tpu.memory_space<vmem>>) target_semaphore(%arg18 : memref<!tpu.dma_semaphore, #tpu.memory_space<semaphore_mem>>)
      } else {
      }
    }
    %scan3A_236 = arith.constant 20 : i32
    %dma_wait3A_237 = arith.constant 1 : i32
    %dma_wait3A_238 = arith.constant 0 : i32
    %dma_wait3A_239 = tpu.memref_slice %arg9[%dma_wait3A_237, %dma_wait3A_238] : memref<4x128xi32, #tpu.memory_space<vmem>> -> memref<1x128xi32, #tpu.memory_space<vmem>>
    %dma_wait3A_240 = tpu.memref_squeeze %dma_wait3A_239 : memref<1x128xi32, #tpu.memory_space<vmem>> -> memref<128xi32, #tpu.memory_space<vmem>>
    %dma_wait3A_241 = arith.constant 0 : i32
    %dma_wait3A_242 = arith.constant 0 : i32
    %dma_wait3A_243 = tpu.memref_slice %arg15[%dma_wait3A_241, %dma_wait3A_242] : memref<10112x128xf32, #tpu.memory_space<vmem_shared>> -> memref<10112x128xf32, #tpu.memory_space<vmem_shared>>
    tpu.wait_indirect_dma semaphore(%arg25 : memref<!tpu.dma_semaphore, #tpu.memory_space<semaphore_mem>>) src(%arg11 : memref<128x128xf32, #tpu.memory_space<vmem>>) dst(%dma_wait3A_243 : memref<10112x128xf32, #tpu.memory_space<vmem_shared>>)
    %dma_wait3A_244 = arith.constant 3 : i32
    %dma_wait3A_245 = arith.constant 0 : i32
    %dma_wait3A_246 = tpu.memref_slice %arg9[%dma_wait3A_244, %dma_wait3A_245] : memref<4x128xi32, #tpu.memory_space<vmem>> -> memref<1x128xi32, #tpu.memory_space<vmem>>
    %dma_wait3A_247 = tpu.memref_squeeze %dma_wait3A_246 : memref<1x128xi32, #tpu.memory_space<vmem>> -> memref<128xi32, #tpu.memory_space<vmem>>
    %dma_wait3A_248 = arith.constant 0 : i32
    %dma_wait3A_249 = arith.constant 0 : i32
    %dma_wait3A_250 = tpu.memref_slice %arg16[%dma_wait3A_248, %dma_wait3A_249] : memref<10112x16xf32, #tpu.memory_space<vmem_shared>> -> memref<10112x16xf32, #tpu.memory_space<vmem_shared>>
    tpu.wait_indirect_dma semaphore(%arg27 : memref<!tpu.dma_semaphore, #tpu.memory_space<semaphore_mem>>) src(%arg13 : memref<128x16xf32, #tpu.memory_space<vmem>>) dst(%dma_wait3A_250 : memref<10112x16xf32, #tpu.memory_space<vmem_shared>>)
    %dma_wait3A_251 = arith.constant 1 : i32
    %dma_wait3A_252 = arith.constant 0 : i32
    %dma_wait3A_253 = tpu.memref_slice %arg10[%dma_wait3A_251, %dma_wait3A_252] : memref<4x128xi32, #tpu.memory_space<vmem>> -> memref<1x128xi32, #tpu.memory_space<vmem>>
    %dma_wait3A_254 = tpu.memref_squeeze %dma_wait3A_253 : memref<1x128xi32, #tpu.memory_space<vmem>> -> memref<128xi32, #tpu.memory_space<vmem>>
    %dma_wait3A_255 = arith.constant 0 : i32
    %dma_wait3A_256 = arith.constant 0 : i32
    %dma_wait3A_257 = tpu.memref_slice %arg15[%dma_wait3A_255, %dma_wait3A_256] : memref<10112x128xf32, #tpu.memory_space<vmem_shared>> -> memref<10112x128xf32, #tpu.memory_space<vmem_shared>>
    tpu.wait_indirect_dma semaphore(%arg26 : memref<!tpu.dma_semaphore, #tpu.memory_space<semaphore_mem>>) src(%arg12 : memref<128x128xf32, #tpu.memory_space<vmem>>) dst(%dma_wait3A_257 : memref<10112x128xf32, #tpu.memory_space<vmem_shared>>)
    %dma_wait3A_258 = arith.constant 3 : i32
    %dma_wait3A_259 = arith.constant 0 : i32
    %dma_wait3A_260 = tpu.memref_slice %arg10[%dma_wait3A_258, %dma_wait3A_259] : memref<4x128xi32, #tpu.memory_space<vmem>> -> memref<1x128xi32, #tpu.memory_space<vmem>>
    %dma_wait3A_261 = tpu.memref_squeeze %dma_wait3A_260 : memref<1x128xi32, #tpu.memory_space<vmem>> -> memref<128xi32, #tpu.memory_space<vmem>>
    %dma_wait3A_262 = arith.constant 0 : i32
    %dma_wait3A_263 = arith.constant 0 : i32
    %dma_wait3A_264 = tpu.memref_slice %arg16[%dma_wait3A_262, %dma_wait3A_263] : memref<10112x16xf32, #tpu.memory_space<vmem_shared>> -> memref<10112x16xf32, #tpu.memory_space<vmem_shared>>
    tpu.wait_indirect_dma semaphore(%arg28 : memref<!tpu.dma_semaphore, #tpu.memory_space<semaphore_mem>>) src(%arg14 : memref<128x16xf32, #tpu.memory_space<vmem>>) dst(%dma_wait3A_264 : memref<10112x16xf32, #tpu.memory_space<vmem_shared>>)
    %barrier3A_265 = arith.constant 0 : index
    tpu.barrier barrier_id(%barrier3A_265)
    %dma_start3A_266 = arith.constant 0 : i32
    %dma_start3A_267 = tpu.memref_slice %arg5[%arg0, %mul3A_21, %dma_start3A_266] : memref<2x10112x128xf32, #tpu.memory_space<hbm>> -> memref<1x632x128xf32, #tpu.memory_space<hbm>>
    %dma_start3A_268 = tpu.memref_squeeze %dma_start3A_267 : memref<1x632x128xf32, #tpu.memory_space<hbm>> -> memref<632x128xf32, #tpu.memory_space<hbm>>
    %dma_start3A_269 = arith.constant 0 : i32
    %dma_start3A_270 = tpu.memref_slice %arg15[%mul3A_21, %dma_start3A_269] : memref<10112x128xf32, #tpu.memory_space<vmem_shared>> -> memref<632x128xf32, #tpu.memory_space<vmem_shared>>
    tpu.enqueue_dma source(%dma_start3A_270 : memref<632x128xf32, #tpu.memory_space<vmem_shared>>) target(%dma_start3A_268 : memref<632x128xf32, #tpu.memory_space<hbm>>) target_semaphore(%arg21 : memref<!tpu.dma_semaphore, #tpu.memory_space<semaphore_mem>>)
    %dma_start3A_271 = arith.constant 0 : i32
    %dma_start3A_272 = tpu.memref_slice %arg6[%arg0, %mul3A_21, %dma_start3A_271] : memref<2x10112x16xf32, #tpu.memory_space<hbm>> -> memref<1x632x16xf32, #tpu.memory_space<hbm>>
    %dma_start3A_273 = tpu.memref_squeeze %dma_start3A_272 : memref<1x632x16xf32, #tpu.memory_space<hbm>> -> memref<632x16xf32, #tpu.memory_space<hbm>>
    %dma_start3A_274 = arith.constant 0 : i32
    %dma_start3A_275 = tpu.memref_slice %arg16[%mul3A_21, %dma_start3A_274] : memref<10112x16xf32, #tpu.memory_space<vmem_shared>> -> memref<632x16xf32, #tpu.memory_space<vmem_shared>>
    tpu.enqueue_dma source(%dma_start3A_275 : memref<632x16xf32, #tpu.memory_space<vmem_shared>>) target(%dma_start3A_273 : memref<632x16xf32, #tpu.memory_space<hbm>>) target_semaphore(%arg23 : memref<!tpu.dma_semaphore, #tpu.memory_space<semaphore_mem>>)
    %dma_wait3A_276 = arith.constant 0 : i32
    %dma_wait3A_277 = tpu.memref_slice %arg5[%arg0, %mul3A_21, %dma_wait3A_276] : memref<2x10112x128xf32, #tpu.memory_space<hbm>> -> memref<1x632x128xf32, #tpu.memory_space<hbm>>
    %dma_wait3A_278 = tpu.memref_squeeze %dma_wait3A_277 : memref<1x632x128xf32, #tpu.memory_space<hbm>> -> memref<632x128xf32, #tpu.memory_space<hbm>>
    %dma_wait3A_279 = arith.constant 0 : i32
    %dma_wait3A_280 = tpu.memref_slice %arg15[%mul3A_21, %dma_wait3A_279] : memref<10112x128xf32, #tpu.memory_space<vmem_shared>> -> memref<632x128xf32, #tpu.memory_space<vmem_shared>>
    tpu.wait_dma2 semaphore(%arg21 : memref<!tpu.dma_semaphore, #tpu.memory_space<semaphore_mem>>) src(%dma_wait3A_280 : memref<632x128xf32, #tpu.memory_space<vmem_shared>>) dst(%dma_wait3A_278 : memref<632x128xf32, #tpu.memory_space<hbm>>)
    %dma_wait3A_281 = arith.constant 0 : i32
    %dma_wait3A_282 = tpu.memref_slice %arg6[%arg0, %mul3A_21, %dma_wait3A_281] : memref<2x10112x16xf32, #tpu.memory_space<hbm>> -> memref<1x632x16xf32, #tpu.memory_space<hbm>>
    %dma_wait3A_283 = tpu.memref_squeeze %dma_wait3A_282 : memref<1x632x16xf32, #tpu.memory_space<hbm>> -> memref<632x16xf32, #tpu.memory_space<hbm>>
    %dma_wait3A_284 = arith.constant 0 : i32
    %dma_wait3A_285 = tpu.memref_slice %arg16[%mul3A_21, %dma_wait3A_284] : memref<10112x16xf32, #tpu.memory_space<vmem_shared>> -> memref<632x16xf32, #tpu.memory_space<vmem_shared>>
    tpu.wait_dma2 semaphore(%arg23 : memref<!tpu.dma_semaphore, #tpu.memory_space<semaphore_mem>>) src(%dma_wait3A_285 : memref<632x16xf32, #tpu.memory_space<vmem_shared>>) dst(%dma_wait3A_283 : memref<632x16xf32, #tpu.memory_space<hbm>>)
    return
  }
}

module attributes {stable_mosaic.version = 14 : i64} {
  func.func @_tc_pre_body(%arg0: i32, %arg1: memref<1000x128xf32, #tpu.memory_space<vmem>>, %arg2: memref<128x128xf32, #tpu.memory_space<vmem>>, %arg3: memref<1x128xf32, #tpu.memory_space<vmem>>, %arg4: memref<1000x128xf32, #tpu.memory_space<vmem>>) attributes {dimension_semantics = [#tpu.dimension_semantics<arbitrary>], iteration_bounds = array<i64: 10>, scalar_prefetch = 0 : i64, scratch_operands = 0 : i64, tpu.core_type = #tpu.core_type<tc>, window_params = [{transform_indices = @transform_0, window_bounds = array<i64: 1000, 128>}, {pipeline_mode = #tpu.pipeline_mode<synchronous>, transform_indices = @transform_1, window_bounds = array<i64: 128, 128>}, {pipeline_mode = #tpu.pipeline_mode<synchronous>, transform_indices = @transform_2, window_bounds = array<i64: 1, 128>}, {transform_indices = @transform_3, window_bounds = array<i64: 1000, 128>}]} {
    %get3A = arith.constant 0 : index
    %get3A_0 = arith.constant 0 : index
    %get3A_1 = vector.load %arg1[%get3A, %get3A_0] : memref<1000x128xf32, #tpu.memory_space<vmem>>, vector<1000x128xf32>
    %get3A_2 = arith.constant 0 : index
    %get3A_3 = arith.constant 0 : index
    %get3A_4 = vector.load %arg2[%get3A_2, %get3A_3] : memref<128x128xf32, #tpu.memory_space<vmem>>, vector<128x128xf32>
    %dot_general3A = arith.constant dense<0.000000e+00> : vector<1000x128xf32>
    %dot_general3A_5 = tpu.matmul %get3A_1, %get3A_4, %dot_general3A {dimension_numbers = #tpu.dot_dimension_numbers<[1], [0], [0], [1], [0, 0, 1, 1], [], []>, transpose_lhs_hint = false} : vector<1000x128xf32>, vector<128x128xf32>, vector<1000x128xf32> -> vector<1000x128xf32>
    %get3A_6 = arith.constant 0 : index
    %get3A_7 = arith.constant 0 : index
    %get3A_8 = vector.load %arg3[%get3A_6, %get3A_7] : memref<1x128xf32, #tpu.memory_space<vmem>>, vector<1x128xf32>
    %add3A = vector.broadcast %get3A_8 : vector<1x128xf32> to vector<1000x128xf32>
    %add3A_9 = arith.addf %dot_general3A_5, %add3A : vector<1000x128xf32>
    %swap3A = arith.constant 0 : index
    %swap3A_10 = arith.constant 0 : index
    %swap3A_11 = vector.load %arg4[%swap3A, %swap3A_10] : memref<1000x128xf32, #tpu.memory_space<vmem>>, vector<1000x128xf32>
    tpu.vector_store %arg4[%swap3A, %swap3A_10], %add3A_9 {strides = array<i32>} : memref<1000x128xf32, #tpu.memory_space<vmem>>, vector<1000x128xf32>,
    return
  }
  func.func @transform_0(%arg0: i32) -> (i32, i32) {
    %c0_i32 = arith.constant 0 : i32
    %c0_i32_0 = arith.constant 0 : i32
    return %arg0, %c0_i32 : i32, i32
  }
  func.func @transform_1(%arg0: i32) -> (i32, i32) {
    %c0_i32 = arith.constant 0 : i32
    %c0_i32_0 = arith.constant 0 : i32
    %c0_i32_1 = arith.constant 0 : i32
    return %c0_i32, %c0_i32_0 : i32, i32
  }
  func.func @transform_2(%arg0: i32) -> (i32, i32) {
    %c0_i32 = arith.constant 0 : i32
    %c0_i32_0 = arith.constant 0 : i32
    %c0_i32_1 = arith.constant 0 : i32
    return %c0_i32, %c0_i32_0 : i32, i32
  }
  func.func @transform_3(%arg0: i32) -> (i32, i32) {
    %c0_i32 = arith.constant 0 : i32
    %c0_i32_0 = arith.constant 0 : i32
    return %arg0, %c0_i32 : i32, i32
  }
}

module attributes {stable_mosaic.version = 14 : i64} {
  func.func @_tc_body(%arg0: i32, %arg1: memref<1000x128xf32, #tpu.memory_space<vmem>>, %arg2: memref<1x1000x128xf32, #tpu.memory_space<vmem>>, %arg3: memref<1x1000x128xf32, #tpu.memory_space<vmem>>, %arg4: memref<1x1000x16xf32, #tpu.memory_space<vmem>>, %arg5: memref<1x1000x16xf32, #tpu.memory_space<vmem>>, %arg6: memref<128x128xf32, #tpu.memory_space<vmem>>, %arg7: memref<16x128xf32, #tpu.memory_space<vmem>>, %arg8: memref<1000x128xf32, #tpu.memory_space<vmem>>) attributes {dimension_semantics = [#tpu.dimension_semantics<arbitrary>], iteration_bounds = array<i64: 10>, scalar_prefetch = 0 : i64, scratch_operands = 0 : i64, tpu.core_type = #tpu.core_type<tc>, window_params = [{transform_indices = @transform_0, window_bounds = array<i64: 1000, 128>}, {transform_indices = @transform_1, window_bounds = array<i64: 1, 1000, 128>}, {transform_indices = @transform_2, window_bounds = array<i64: 1, 1000, 128>}, {transform_indices = @transform_3, window_bounds = array<i64: 1, 1000, 16>}, {transform_indices = @transform_4, window_bounds = array<i64: 1, 1000, 16>}, {pipeline_mode = #tpu.pipeline_mode<synchronous>, transform_indices = @transform_5, window_bounds = array<i64: 128, 128>}, {pipeline_mode = #tpu.pipeline_mode<synchronous>, transform_indices = @transform_6, window_bounds = array<i64: 16, 128>}, {transform_indices = @transform_7, window_bounds = array<i64: 1000, 128>}]} {
    %get3A = arith.constant 0 : index
    %get3A_0 = arith.constant 0 : index
    %get3A_1 = arith.constant 0 : index
    %get3A_2 = vector.load %arg2[%get3A, %get3A_0, %get3A_1] : memref<1x1000x128xf32, #tpu.memory_space<vmem>>, vector<1x1000x128xf32>
    %get3A_3 = vector.shape_cast %get3A_2 : vector<1x1000x128xf32> to vector<1000x128xf32>
    %get3A_4 = arith.constant 0 : index
    %get3A_5 = arith.constant 0 : index
    %get3A_6 = arith.constant 0 : index
    %get3A_7 = vector.load %arg3[%get3A_4, %get3A_5, %get3A_6] : memref<1x1000x128xf32, #tpu.memory_space<vmem>>, vector<1x1000x128xf32>
    %get3A_8 = vector.shape_cast %get3A_7 : vector<1x1000x128xf32> to vector<1000x128xf32>
    %add3A = arith.addf %get3A_3, %get3A_8 : vector<1000x128xf32>
    %get3A_9 = arith.constant 0 : index
    %get3A_10 = arith.constant 0 : index
    %get3A_11 = arith.constant 0 : index
    %get3A_12 = vector.load %arg4[%get3A_9, %get3A_10, %get3A_11] : memref<1x1000x16xf32, #tpu.memory_space<vmem>>, vector<1x1000x16xf32>
    %get3A_13 = vector.shape_cast %get3A_12 : vector<1x1000x16xf32> to vector<1000x16xf32>
    %get3A_14 = arith.constant 0 : index
    %get3A_15 = arith.constant 0 : index
    %get3A_16 = arith.constant 0 : index
    %get3A_17 = vector.load %arg5[%get3A_14, %get3A_15, %get3A_16] : memref<1x1000x16xf32, #tpu.memory_space<vmem>>, vector<1x1000x16xf32>
    %get3A_18 = vector.shape_cast %get3A_17 : vector<1x1000x16xf32> to vector<1000x16xf32>
    %add3A_19 = arith.addf %get3A_13, %get3A_18 : vector<1000x16xf32>
    %get3A_20 = arith.constant 0 : index
    %get3A_21 = arith.constant 0 : index
    %get3A_22 = vector.load %arg1[%get3A_20, %get3A_21] : memref<1000x128xf32, #tpu.memory_space<vmem>>, vector<1000x128xf32>
    %get3A_23 = arith.constant 0 : index
    %get3A_24 = arith.constant 0 : index
    %get3A_25 = vector.load %arg6[%get3A_23, %get3A_24] : memref<128x128xf32, #tpu.memory_space<vmem>>, vector<128x128xf32>
    %dot_general3A = arith.constant dense<0.000000e+00> : vector<1000x128xf32>
    %dot_general3A_26 = tpu.matmul %add3A, %get3A_25, %dot_general3A {dimension_numbers = #tpu.dot_dimension_numbers<[1], [0], [0], [1], [0, 0, 1, 1], [], []>, transpose_lhs_hint = false} : vector<1000x128xf32>, vector<128x128xf32>, vector<1000x128xf32> -> vector<1000x128xf32>
    %add3A_27 = arith.addf %get3A_22, %dot_general3A_26 : vector<1000x128xf32>
    %get3A_28 = arith.constant 0 : index
    %get3A_29 = arith.constant 0 : index
    %get3A_30 = vector.load %arg7[%get3A_28, %get3A_29] : memref<16x128xf32, #tpu.memory_space<vmem>>, vector<16x128xf32>
    %dot_general3A_31 = arith.constant dense<0.000000e+00> : vector<1000x128xf32>
    %dot_general3A_32 = tpu.matmul %add3A_19, %get3A_30, %dot_general3A_31 {dimension_numbers = #tpu.dot_dimension_numbers<[1], [0], [0], [1], [0, 0, 1, 1], [], []>, transpose_lhs_hint = false} : vector<1000x16xf32>, vector<16x128xf32>, vector<1000x128xf32> -> vector<1000x128xf32>
    %add3A_33 = arith.addf %add3A_27, %dot_general3A_32 : vector<1000x128xf32>
    %mul3A = arith.mulf %add3A_33, %add3A_33 : vector<1000x128xf32>
    %reduce_sum3A = arith.constant dense<0.000000e+00> : vector<1000xf32>
    %reduce_sum3A_34 = vector.multi_reduction <add>, %mul3A, %reduce_sum3A [1] : vector<1000x128xf32> to vector<1000xf32>
    %broadcast_in_dim3A = vector.shape_cast %reduce_sum3A_34 : vector<1000xf32> to vector<1000x1xf32>
    %sqrt3A = math.sqrt %broadcast_in_dim3A : vector<1000x1xf32>
    %max3A = arith.constant 9.99999996E-13 : f32
    %max3A_35 = vector.broadcast %max3A : f32 to vector<1000x1xf32>
    %max3A_36 = arith.maximumf %sqrt3A, %max3A_35 : vector<1000x1xf32>
    %div3A = vector.broadcast %max3A_36 : vector<1000x1xf32> to vector<1000x128xf32>
    %div3A_37 = arith.divf %add3A_33, %div3A : vector<1000x128xf32>
    %ge3A = arith.constant 0.000000e+00 : f32
    %ge3A_38 = vector.broadcast %ge3A : f32 to vector<1000x128xf32>
    %ge3A_39 = arith.cmpf oge, %div3A_37, %ge3A_38 : vector<1000x128xf32>
    %mul3A_40 = arith.constant 0.00999999977 : f32
    %mul3A_41 = vector.broadcast %mul3A_40 : f32 to vector<1000x128xf32>
    %mul3A_42 = arith.mulf %mul3A_41, %div3A_37 : vector<1000x128xf32>
    %select_n3A = arith.select %ge3A_39, %div3A_37, %mul3A_42 : vector<1000x128xi1>, vector<1000x128xf32>
    %swap3A = arith.constant 0 : index
    %swap3A_43 = arith.constant 0 : index
    %swap3A_44 = vector.load %arg8[%swap3A, %swap3A_43] : memref<1000x128xf32, #tpu.memory_space<vmem>>, vector<1000x128xf32>
    tpu.vector_store %arg8[%swap3A, %swap3A_43], %select_n3A {strides = array<i32>} : memref<1000x128xf32, #tpu.memory_space<vmem>>, vector<1000x128xf32>,
    return
  }
  func.func @transform_0(%arg0: i32) -> (i32, i32) {
    %c0_i32 = arith.constant 0 : i32
    %c0_i32_0 = arith.constant 0 : i32
    return %arg0, %c0_i32 : i32, i32
  }
  func.func @transform_1(%arg0: i32) -> (i32, i32, i32) {
    %c0_i32 = arith.constant 0 : i32
    %c0_i32_0 = arith.constant 0 : i32
    %c0_i32_1 = arith.constant 0 : i32
    return %c0_i32, %arg0, %c0_i32_0 : i32, i32, i32
  }
  func.func @transform_2(%arg0: i32) -> (i32, i32, i32) {
    %c1_i32 = arith.constant 1 : i32
    %c0_i32 = arith.constant 0 : i32
    %c0_i32_0 = arith.constant 0 : i32
    return %c1_i32, %arg0, %c0_i32 : i32, i32, i32
  }
  func.func @transform_3(%arg0: i32) -> (i32, i32, i32) {
    %c0_i32 = arith.constant 0 : i32
    %c0_i32_0 = arith.constant 0 : i32
    %c0_i32_1 = arith.constant 0 : i32
    return %c0_i32, %arg0, %c0_i32_0 : i32, i32, i32
  }
  func.func @transform_4(%arg0: i32) -> (i32, i32, i32) {
    %c1_i32 = arith.constant 1 : i32
    %c0_i32 = arith.constant 0 : i32
    %c0_i32_0 = arith.constant 0 : i32
    return %c1_i32, %arg0, %c0_i32 : i32, i32, i32
  }
  func.func @transform_5(%arg0: i32) -> (i32, i32) {
    %c0_i32 = arith.constant 0 : i32
    %c0_i32_0 = arith.constant 0 : i32
    %c0_i32_1 = arith.constant 0 : i32
    return %c0_i32, %c0_i32_0 : i32, i32
  }
  func.func @transform_6(%arg0: i32) -> (i32, i32) {
    %c0_i32 = arith.constant 0 : i32
    %c0_i32_0 = arith.constant 0 : i32
    %c0_i32_1 = arith.constant 0 : i32
    return %c0_i32, %c0_i32_0 : i32, i32
  }
  func.func @transform_7(%arg0: i32) -> (i32, i32) {
    %c0_i32 = arith.constant 0 : i32
    %c0_i32_0 = arith.constant 0 : i32
    return %arg0, %c0_i32 : i32, i32
  }
}

</mosaic_0001>

<sc_bundles>
// kernel: kernel.5.cloned.1.call-start
scs
__scs_entry_jumppad:
0x0: {  	(pc) =	sbr.rel $0x88, $3  }
0x1: {  	(tag) =	ssettag $0x0;
	lr =	simm.s32 $0x1  }
0x2: {  	[smem:$0x3F96] =	sst lr;
	_ =	strace $0xD0000000  }
0x3: {  	_ = 	snop  }
0x4: {  	_ = 	snop  }
0x5: {  	_ = 	snop  }
0x6: {  	_ = 	snop  }
0x7: {  	_ = 	snop  }
__scs_overlays_trampoline_lowered:
0x8: {  	[smem:$0x3FA5] =	sst s0  }
0x9: {  	[smem:$0x3FA6] =	sst s1  }
0xa: {  	[smem:$0x3FA7] =	sst s2  }
0xb: {  	[smem:$0x3FA8] =	sst s3  }
0xc: {  	[smem:$0x3FA9] =	sst s4  }
0xd: {  	[smem:$0x3FAA] =	sst s5  }
0xe: {  	[smem:$0x3FAB] =	sst s6  }
0xf: {  	[smem:$0x3FAC] =	sst s7  }
0x10: {  	[smem:$0x3FAD] =	sst s8  }
0x11: {  	[smem:$0x3FAE] =	sst s9;
	s0 =	simm.s32 @!p0 $0x0  }
0x12: {  	s1 =	sld [smem:$0x3F94];
	s0 =	simm.s32 @p0 $0x1  }
0x13: {  	[smem:$0x3FAF] =	sst s0;
	s0 =	simm.s32 @!p1 $0x0  }
0x14: {  	s2 =	sld [smem:$0x3F93];
	s0 =	simm.s32 @p1 $0x1  }
0x15: {  	[smem:$0x3FB0] =	sst s0;
	s0 =	simm.s32 @!p2 $0x0  }
0x16: {  	s3 =	sld [smem:$0x3FDB];
	s0 =	simm.s32 @p2 $0x1  }
0x17: {  	s4 =	simm.s32 $0x1BF5;
	[smem:$0x3FB2] =	sst s0  }
0x18: {  	s0 =	sld [smem:$0x3F95];
	_ =	swait.ge [sflag:s4], $0x0  }
0x19: {  	s7 =	sld [smem:$0x3F96]  }
0x1a: {  	s8 =	sadd.s32 $0xFFFFE003, lr  }
0x1b: {  	s9 =	sadd.s32 $0xFFFFFEF7, lr;
	s5 =	simm.s32 $0xFFFFFFFF;
	p2 =	slt.u32 s8, $0xFFFFF086  }
0x1c: {  	p1 =	slt.u32 s9, $0xF7A;
	s5 =	simm.s32 @!p2 $0x0  }
0x1d: {  	s5 =	simm.s32 @p1 $0x1;
	p0 =	seq.s32 s7, s2  }
0x1e: {  	s7 =	smul.u32 @!p0 $0xF7A, s2;
	p2 =	seq.s32 @!p0 s5, $0x0  }
0x1f: {  	s9 =	smul.u32 $0xF7A, s1;
	s8 =	simm.s32 @!p0 $0x1BF5;
	p2 =	por !p2, p0  }
0x20: {  	[sflag:s8] =	ssyncset.s32 @!p0 $0xFFFFF086;
	s6 =	sadd.s32 @!p0 s3, s7;
	s7 =	simm.s32 @!p0 $0x108  }
0x21: {  	s3 =	sadd.s32 s3, s9;
	s6 =	sadd.s32 @!p0 $0x88, s6;
	s7 =	simm.s32 @p2 $0x1082  }
0x22: {  	[simem:s7], [sflag:s8] =	dma.local @!p0 [hbm:s6], $0xF7A  }
0x23: {  	s9 =	sor.u32 $0xD0000000, s2;
	s6 =	simm.s32 $0x108;
	_ =	swait.ge @!p0 [sflag:s8], $0x0  }
0x24: {  	s3 =	sadd.s32 $0x88, s3;
	s6 =	simm.s32 @!p1 $0x1082;
	[sflag:s4] =	ssyncset.s32 $0xFFFFF086  }
0x25: {  	[simem:s6], [sflag:s4] =	dma.local [hbm:s3], $0xF7A  }
0x26: {  	[smem:$0x3F96] =	sst s1;
	(tag) =	ssettag s2;
	_ =	strace s9  }
0x27: {  	s1 =	sld [smem:$0x3FA6]  }
0x28: {  	s2 =	sld [smem:$0x3FA7]  }
0x29: {  	s4 =	sld [smem:$0x3FA9]  }
0x2a: {  	p0 =	seq.s32 s5, $0x0;
	s5 =	sld [smem:$0x3FAA]  }
0x2b: {  	s6 =	sld [smem:$0x3FAB]  }
0x2c: {  	s7 =	sld [smem:$0x3FAC]  }
0x2d: {  	s3 =	simm.s32 $0x108;
	s8 =	sld [smem:$0x3FAD]  }
0x2e: {  	s3 =	simm.s32 @!p0 $0x1082;
	s9 =	sld [smem:$0x3FAE]  }
0x2f: {  	lr =	sadd.s32 s0, s3;
	s0 =	sld [smem:$0x3FA5]  }
0x30: {  	s3 =	sld [smem:$0x3FA8]  }
0x31: {  	[smem:$0x3FB1] =	sst s10  }
0x32: {  	s10 =	sld [smem:$0x3FAF];
	_ =	sdelay $0x3  }
0x33: {  	p0 =	seq.s32 s10, $0x1;
	s10 =	sld [smem:$0x3FB1];
	_ =	sdelay $0x3  }
0x34: {  	[smem:$0x3FB1] =	sst s10  }
0x35: {  	s10 =	sld [smem:$0x3FB0];
	_ =	sdelay $0x3  }
0x36: {  	p1 =	seq.s32 s10, $0x1;
	s10 =	sld [smem:$0x3FB1];
	_ =	sdelay $0x3  }
0x37: {  	[smem:$0x3FB1] =	sst s10  }
0x38: {  	s10 =	sld [smem:$0x3FB2]  }
0x39: {  	_ = 	snop;
	(pc) =	sbr.ind lr, $3  }
0x3a: {  	_ = 	snop  }
0x3b: {  	_ = 	snop  }
0x3c: {  	p2 =	seq.s32 s10, $0x1;
	s10 =	sld [smem:$0x3FB1]  }
0x3d: {  	_ =	shalt  }
0x3e: {  	_ =	shalt  }
0x3f: {  	_ =	shalt  }
0x40: {  	_ =	shalt  }
0x41: {  	_ =	shalt  }
0x42: {  	_ =	shalt  }
0x43: {  	_ =	shalt  }
0x44: {  	_ =	shalt  }
0x45: {  	_ =	shalt  }
0x46: {  	_ =	shalt  }
0x47: {  	_ =	shalt  }
0x48: {  	_ =	shalt  }
0x49: {  	_ =	shalt  }
0x4a: {  	_ =	shalt  }
0x4b: {  	_ =	shalt  }
0x4c: {  	_ =	shalt  }
0x4d: {  	_ =	shalt  }
0x4e: {  	_ =	shalt  }
0x4f: {  	_ =	shalt  }
0x50: {  	_ =	shalt  }
0x51: {  	_ =	shalt  }
0x52: {  	_ =	shalt  }
0x53: {  	_ =	shalt  }
0x54: {  	_ =	shalt  }
0x55: {  	_ =	shalt  }
0x56: {  	_ =	shalt  }
0x57: {  	_ =	shalt  }
0x58: {  	_ =	shalt  }
0x59: {  	_ =	shalt  }
0x5a: {  	_ =	shalt  }
0x5b: {  	_ =	shalt  }
0x5c: {  	_ =	shalt  }
0x5d: {  	_ =	shalt  }
0x5e: {  	_ =	shalt  }
0x5f: {  	_ =	shalt  }
0x60: {  	_ =	shalt  }
0x61: {  	_ =	shalt  }
0x62: {  	_ =	shalt  }
0x63: {  	_ =	shalt  }
0x64: {  	_ =	shalt  }
0x65: {  	_ =	shalt  }
0x66: {  	_ =	shalt  }
0x67: {  	_ =	shalt  }
0x68: {  	_ =	shalt  }
0x69: {  	_ =	shalt  }
0x6a: {  	_ =	shalt  }
0x6b: {  	_ =	shalt  }
0x6c: {  	_ =	shalt  }
0x6d: {  	_ =	shalt  }
0x6e: {  	_ =	shalt  }
0x6f: {  	_ =	shalt  }
0x70: {  	_ =	shalt  }
0x71: {  	_ =	shalt  }
0x72: {  	_ =	shalt  }
0x73: {  	_ =	shalt  }
0x74: {  	_ =	shalt  }
0x75: {  	_ =	shalt  }
0x76: {  	_ =	shalt  }
0x77: {  	_ =	shalt  }
0x78: {  	_ =	shalt  }
0x79: {  	_ =	shalt  }
0x7a: {  	_ =	shalt  }
0x7b: {  	_ =	shalt  }
0x7c: {  	_ =	shalt  }
0x7d: {  	_ =	shalt  }
0x7e: {  	_ =	shalt  }
0x7f: {  	_ =	shalt  }
0x80: {  	_ =	shalt  }
0x81: {  	_ =	shalt  }
0x82: {  	_ =	shalt  }
0x83: {  	_ =	shalt  }
0x84: {  	_ =	shalt  }
0x85: {  	_ =	shalt  }
0x86: {  	_ =	shalt  }
0x87: {  	_ =	shalt  }
.Lfunc_end0:
.L_simem_size_0:
called_computation_lowered:
.L_overlay_start_0:
0x88: {  	s2 =	sld [smem:$0x3FD9]  }
0x89: {  	s3 =	sld [smem:$0x3FFE];
	_ =	sdelay $0x1  }
0x8a: {  	s1 =	srdreg.scid  }
0x8b: {  	s0 =	sand.u32 $0x1, s1  }
0x8c: {  	s17 =	sshll.u32 s0, $0xA;
	s2 =	sadd.s32 s3, s2  }
0x8d: {  	s2 =	sadd.s32 s2, s17  }
0x8e: {  	[smem:$0x3FBD] =	sst s2  }
0x8f: {  	_ = 	snop  }
0x90: {  	s2 =	sld [smem:$0x3FC9]  }
0x91: {  	s18 =	sld [smem:$0x3FD0];
	(tm) =	ssettm $0x1  }
0x92: {  	s4 =	sld [smem:$0x3FFB];
	_ =	sdelay $0x3  }
0x93: {  	_ =	strace s4  }
0x94: {  	s4 =	sld [smem:$0x3FFC];
	_ =	sdelay $0x3  }
0x95: {  	_ =	strace s4  }
0x96: {  	s4 =	sld [smem:$0x3FFD];
	_ =	sdelay $0x3  }
0x97: {  	_ =	strace s4  }
0x98: {  	_ =	strace $0x8FFFFFFF  }
0x99: {  	s19 =	sld [smem:$0x3FDB];
	_ =	sdelay $0x1  }
0x9a: {  	s5 =	simm.s32 $_scs_section_size  }
0x9b: {  	s6 =	simm.s32 $_size__tile_overlayer_lowered;
	s7 =	simm.s32 $_tile_overlayer_lowered  }
0x9c: {  	s22 =	simm.s32 $0x1BFF;
	s21 =	sshll.u32 s7, $0x1;
	s4 =	sadd.s32 s5, s19  }
0x9d: {  	s8 =	simm.s32 $0x0;
	s20 =	sshll.u32 s6, $0x1;
	s6 =	sadd.s32 s21, s4  }
0x9e: {  	[timem:s8], [sflag:s22] =	dma.local [hbm:s6], s20  }
0x9f: {  	_ =	swait.ge [sflag:s22], s20  }
0xa0: {  	s5 =	ssub.s32 $0x0, s20;
	[sflag:s22] =	ssyncset.done $0x0  }
0xa1: {  	[sflag:s22] =	ssyncadd.s32 s5;
	_ =	sdelay $0x1  }
0xa2: {  	s23 =	simm.s32 $0x1B8B  }
0xa3: {  	_ =	swait.ge [sflag:s23], $0x1  }
0xa4: {  	[sflag:s23] =	ssyncset.done $0x0  }
0xa5: {  	s25 =	simm.s32 $0x1B8E;
	s24 =	sld [smem:$0x3FFE];
	[sflag:s23] =	ssyncadd.s32 $0xFFFFFFFF  }
0xa6: {  	s26 =	simm.s32 $execute0_lowered;
	[smem:$0x3FD2] =	sst s25  }
0xa7: {  	s6 =	sshll.u32 s26, $0x1;
	_ =	strace $0x80000046;
	[dreg:$0x1] =	wrdreg $0xFFFFFFFF  }
0xa8: {  	s28 =	simm.s32 $_size_execute0_lowered;
	s4 =	sadd.s32 s4, s6;
	[dreg:$0x0] =	wrdreg $0x0  }
0xa9: {  	s6 =	sshll.u32 s28, $0x1;
	[dreg:$0x2] =	wrdreg s4  }
0xaa: {  	[dreg:$0x3] =	wrdreg s6  }
0xab: {  	[dreg:$0x4] =	wrdreg $0xC0  }
0xac: {  	_ =	task [dreg:s8], $0x5FFFF  }
0xad: {  	[dreg:$0x1] =	wrdreg $0xFFFFFFFF  }
0xae: {  	[dreg:$0x0] =	wrdreg $0x60  }
0xaf: {  	[dreg:$0x2] =	wrdreg s24  }
0xb0: {  	[dreg:$0x3] =	wrdreg s2  }
0xb1: {  	[dreg:$0x4] =	wrdreg s18  }
0xb2: {  	[dreg:$0x5] =	wrdreg $0x98000  }
0xb3: {  	[dreg:$0x6] =	wrdreg $0x1D4000  }
0xb4: {  	[dreg:$0x7] =	wrdreg $0x9  }
0xb5: {  	_ =	task.clear_ibuf [dreg:s8], $0x8FFFF;
	_ =	strace $0x90000046  }
0xb6: {  	s29 =	simm.s32 $0x9;
	_ =	strace $0x80000048  }
0xb7: {  	_ =	swait.ge [sflag:s29], $0x1  }
0xb8: {  	[sflag:s29] =	ssyncadd.s32 $0xFFFFFFFF  }
0xb9: {  	_ =	strace $0x90000048  }
0xba: {  	_ =	sfence  }
0xbb: {  	s30 =	sld [smem:$0x0];
	_ =	sdelay $0x2  }
0xbc: {  	s31 =	sshll.u32 s1, $0xD;
	s1 =	sshrl.u32 s1, $0x2  }
0xbd: {  	s3 =	sand.u32 $0x4000, s31;
	s1 =	sadd.s32 s1, s30  }
0xbe: {  	s0 =	sor.u32 s3, s0;
	s1 =	sshll.u32 s1, $0x11  }
0xbf: {  	s0 =	sor.u32 s1, s0  }
0xc0: {  	s0 =	sadd.s32 $0x8F2B, s0  }
0xc1: {  	[sflag:s0] =	ssyncadd.remote.s32 $0x1  }
0xc2: {  	_ =	sfence.sel $0xFFFF  }
0xc3: {  	[dreg:$0x0] =	wrdreg $0xFFFFFFFF;
	(pc) =	sbr.abs _section_cstart, $3  }
0xc4: {  	[dreg:$0x1] =	wrdreg $0xFFFFFFFF  }
0xc5: {  	_ =	task.clear_ibuf [dreg:s8], $0x2FFFF;
	_ =	strace $0x9FFFFFFF  }
0xc6: {  	(tm) =	ssettm $0x7FFFFFFF  }
0xc7: {  	_ =	shalt  }
tec
execute0_lowered:
.L_overlay_start_1:
0x0: {  	(tag) =	ssettag $0x1  }
0x1: {  	s0 =	rddreg [dreg:$0x0]  }
0x2: {  	s1 =	rddreg [dreg:$0x1]  }
0x3: {  	s2 =	rddreg [dreg:$0x2]  }
0x4: {  	s3 =	rddreg [dreg:$0x3]  }
0x5: {  	s4 =	rddreg [dreg:$0x4]  }
0x6: {  	s6 =	srdreg.scid;
	s17 =	stileid.u32;
	s5 =	simm.s32 $0x0  }
0x7: {  	s14 =	simm.s32 $0xFFFFFFB1;
	s28 =	simm.s32 $0x8800;
	s30 =	simm.s32 $0x6  }
0x8: {  	s31 =	simm.s32 $0x8;
	s10 =	sand.u32 $0x1, s6;
	s11 =	smul.u32 $0x13C00, s17  }
0x9: {  	[smem:$0x7FF] =	sst s5;
	s6 =	sadd.s32 $0x1C00, s0;
	s16 =	smul.u32 $0x278, s17  }
0xa: {  	s20 =	sshll.u32 s17, $0x1;
	p0 =	slt.u32 s17, $0x2;
	s17 =	smul.u32 $0x2780, s17  }
0xb: {  	s7 =	smul.u32 $0x13C000, s10;
	_ =	strace $0x80000047;
	s9 =	ssub.s32 $0x2, s10  }
0xc: {  	s13 =	sor.u32 s10, s20;
	s14 =	simm.s32 @!p0 $0xFFFFFFB2;
	s10 =	smul.u32 $0x27800, s10  }
0xd: {  	s12 =	sshrl.u32 s9, $0x1;
	s21 =	smul.u32 $0x4E, s13;
	s15 =	smin.u32 s13, $0x4  }
0xe: {  	s13 =	sshll.u32 s13, $0x1;
	s22 =	sadd.s32 $0x80, s16;
	s23 =	sadd.s32 s17, s4  }
0xf: {  	s18 =	sadd.s32 $0x100, s16;
	s29 =	sadd.s32 $0x180, s16;
	s8 =	sadd.s32 s11, s7  }
0x10: {  	s7 =	sadd.s32 $0x4E3C00, s0;
	s12 =	ssub.s32 s9, s12;
	s13 =	ssub.s32 s13, s15  }
0x11: {  	s11 =	sadd.s32 s11, s3;
	[dreg:$0x7] =	wrdreg s23;
	s24 =	sshll.u32 s22, $0x7  }
0x12: {  	s25 =	sshll.u32 s18, $0x7;
	s18 =	sshll.u32 s18, $0x4;
	s19 =	sshll.u32 s29, $0x7  }
0x13: {  	s10 =	sadd.s32 s17, s10;
	s17 =	simm.s32 $0x4800;
	s8 =	sshrl.u32 s8, $0x3  }
0x14: {  	s9 =	sadd.s32 s15, s21;
	[dreg:$0x6] =	wrdreg s11;
	s15 =	sadd.s32 s24, s3  }
0x15: {  	s11 =	sshll.u32 s22, $0x4;
	s26 =	sadd.s32 s25, s3;
	s20 =	sadd.s32 s19, s3  }
0x16: {  	s21 =	sadd.s32 $0x200, s16;
	s13 =	sadd.s32 s14, s13;
	s10 =	sshrl.u32 s10, $0x3  }
0x17: {  	s14 =	simm.s32 $0x7;
	s19 =	simm.s32 $0x9000;
	[dreg:$0x8] =	wrdreg s15  }
0x18: {  	s0 =	sadd.s32 s8, s0;
	s8 =	simm.s32 $0x4F;
	[dreg:$0xa] =	wrdreg s26  }
0x19: {  	s11 =	sadd.s32 s11, s4;
	s15 =	sadd.s32 s18, s4;
	[dreg:$0xc] =	wrdreg s20  }
0x1a: {  	s16 =	sshll.u32 s21, $0x7;
	s23 =	sshll.u32 s21, $0x4;
	s24 =	sshll.u32 s9, $0x6  }
0x1b: {  	s2 =	sadd.s32 s2, s10;
	s21 =	simm.s32 $0x400;
	s20 =	simm.s32 $0x9  }
0x1c: {  	s10 =	simm.s32 $0xB;
	s18 =	simm.s32 $0x0;
	[dreg:$0x9] =	wrdreg s11  }
0x1d: {  	s8 =	simm.s32 @!p0 $0x4E;
	[dreg:$0xb] =	wrdreg s15;
	s11 =	sshll.u32 s29, $0x4  }
0x1e: {  	s22 =	sadd.s32 s16, s3;
	s25 =	sadd.s32 s6, s24;
	[dreg:$0x11] =	wrdreg s2  }
0x1f: {  	s0 =	sadd.s32 $0x29C00, s0;
	s29 =	smax.u32 s12, $0x1;
	s2 =	simm.s32 $0x80  }
0x20: {  	s16 =	simm.s32 $0x2;
	s12 =	simm.s32 $0x600;
	[dreg:$0xe] =	wrdreg s22  }
0x21: {  	s24 =	simm.s32 $0xA;
	s11 =	sadd.s32 s11, s4;
	[dreg:$0x10] =	wrdreg s25  }
.Ltmp0:
0x22: {  	s26 =	sadd.s32 $0x40, s25;
	[dreg:$0x13] =	wrdreg s0;
	(pc) =	sbr.rel .LBB2_1-.Ltmp0, $4  }
0x23: {  	[dreg:$0x14] =	wrdreg s29;
	s0 =	simm.s32 $0x1;
	s25 =	simm.s32 $0x3  }
0x24: {  	s22 =	simm.s32 $0x4;
	[dreg:$0xd] =	wrdreg s11;
	s11 =	sadd.s32 s23, s4  }
0x25: {  	[dreg:$0x12] =	wrdreg s26;
	s23 =	sadd.s32 $0x9C4, s13;
	s26 =	simm.s32 $0x800  }
0x26: {  	v0 =	vimm.f32 $0.0e+00;
	s13 =	simm.s32 $0x5;
	[dreg:$0xf] =	wrdreg s11;
	s11 =	simm.s32 $0xC  }
.LBB2_6:
0x27: {  	_ =	swait.ge [sflag:s30], $0x4000  }
0x28: {  	[sflag:s30] =	ssyncset.done $0x0  }
0x29: {  	[sflag:s30] =	ssyncadd.s32 $0xFFFFC000  }
0x2a: {  	_ =	swait.ge [sflag:s31], $0x800  }
0x2b: {  	[sflag:s31] =	ssyncset.done $0x0  }
0x2c: {  	s15 =	simm.s32 $0x680;
	[sflag:s31] =	ssyncadd.s32 $0xFFFFF800  }
0x2d: {  	[spmem:s3] =	stream.indirect.scatter.add.f32 [tilespmem:s17], [sflag:$0xA], $0x80, s15, s2, $0xb8;
	[tilespmem:$0x1FB80] =	vst v63  }
0x2e: {  	s18 =	simm.s32 $0x780  }
0x2f: {  	[spmem:s4] =	stream.indirect.scatter.add.f32 [tilespmem:s19], [sflag:$0xC], $0x10, s18, s2, $0xb8;
	[tilespmem:$0x1FB80] =	vst v63  }
0x30: {  	_ =	swait.ge [sflag:s20], $0x4000  }
0x31: {  	[sflag:s20] =	ssyncset.done $0x0  }
0x32: {  	[sflag:s20] =	ssyncadd.s32 $0xFFFFC000  }
0x33: {  	_ =	swait.ge [sflag:s10], $0x800  }
0x34: {  	[sflag:s10] =	ssyncset.done $0x0  }
0x35: {  	[sflag:s10] =	ssyncadd.s32 $0xFFFFF800  }
0x36: {  	_ =	swait.ge [sflag:s24], $0x4000  }
0x37: {  	[sflag:s24] =	ssyncset.done $0x0  }
0x38: {  	[sflag:s24] =	ssyncadd.s32 $0xFFFFC000  }
0x39: {  	s29 =	stileid.u32;
	_ =	swait.ge [sflag:s11], $0x800  }
0x3a: {  	s15 =	sshll.u32 s29, $0x6;
	[sflag:s11] =	ssyncset.done $0x0  }
0x3b: {  	[dreg:$0x17] =	wrdreg s15;
	[sflag:s11] =	ssyncadd.s32 $0xFFFFF800  }
0x3c: {  	s18 =	sor.u32 $0x1C05, s15;
	[bflag:$0x0] =	sbarrier.arrive $0xFFFF  }
0x3d: {  	[dreg:$0x16] =	wrdreg s18  }
0x3e: {  	s29 =	rddreg [dreg:$0x6]  }
0x3f: {  	s18 =	rddreg [dreg:$0x13]  }
0x40: {  	s29 =	sshrl.u32 s29, $0x3;
	s15 =	rddreg [dreg:$0x16]  }
0x41: {  	[hbm:s18], [sflag:s15] =	dma.local [spmem:s29], $0x2780  }
0x42: {  	s15 =	rddreg [dreg:$0x17]  }
0x43: {  	s18 =	rddreg [dreg:$0x7]  }
0x44: {  	s29 =	rddreg [dreg:$0x11];
	s15 =	sor.u32 $0x1C07, s15;
	s18 =	sshrl.u32 s18, $0x3  }
0x45: {  	[hbm:s29], [sflag:s15] =	dma.local [spmem:s18], $0x4F0  }
0x46: {  	_ =	swait.ge [sflag:s13], $0x2780  }
0x47: {  	[sflag:s13] =	ssyncset.done $0x0  }
0x48: {  	[sflag:s13] =	ssyncadd.s32 $0xFFFFD880  }
0x49: {  	_ =	swait.ge [sflag:s14], $0x4F0  }
0x4a: {  	s15 =	rddreg [dreg:$0x15]  }
0x4b: {  	s29 =	rddreg [dreg:$0x14];
	s18 =	sadd.s32 $0x1, s15  }
0x4c: {  	p0 =	sne.s32 s18, s29  }
.Ltmp1:
0x4d: {  	_ = 	snop;
	(pc) =	sbr.rel @!p0 .LBB2_7-.Ltmp1, $3  }
0x4e: {  	_ =	sdelay $0x1  }
0x4f: {  	[sflag:s14] =	ssyncset.done $0x0  }
0x50: {  	[sflag:s14] =	ssyncadd.s32 $0xFFFFFB10  }
.LBB2_1:
0x51: {  	[dreg:$0x15] =	wrdreg s18;
	s18 =	simm.s32 $0x840  }
0x52: {  	[tilespmem:s18+$0xFFFFFFD0] =	vst v0  }
0x53: {  	[tilespmem:s18+$0xFFFFFFE0] =	vst v0  }
0x54: {  	[tilespmem:s18+$0xFFFFFFF0] =	vst v0  }
0x55: {  	[tilespmem:s18+$0x0] =	vst v0  }
0x56: {  	[tilespmem:s18+$0x10] =	vst v0  }
0x57: {  	[tilespmem:s18+$0x20] =	vst v0  }
0x58: {  	[tilespmem:s18+$0x30] =	vst v0  }
0x59: {  	s29 =	simm.s32 $0x0;
	s15 =	simm.s32 $0x40;
	[tilespmem:s18+$0xFFFFFFC0] =	vst v0  }
.LBB2_2:
0x5a: {  	p0 =	sne.s32 s15, $0x1FC0;
	[tilespmem:s29+$0x8800] =	vst v0;
	s18 =	sadd.s32 $0x80, s18  }
0x5b: {  	[tilespmem:s18+$0xFFFFFFD0] =	vst v0  }
0x5c: {  	[tilespmem:s18+$0xFFFFFFE0] =	vst v0  }
0x5d: {  	[tilespmem:s18+$0xFFFFFFF0] =	vst v0  }
.Ltmp2:
0x5e: {  	[tilespmem:s18+$0x0] =	vst v0;
	(pc) =	sbr.rel @p0 .LBB2_2-.Ltmp2, $4  }
0x5f: {  	[tilespmem:s18+$0x10] =	vst v0  }
0x60: {  	[tilespmem:s18+$0x20] =	vst v0  }
0x61: {  	[tilespmem:s18+$0x30] =	vst v0  }
0x62: {  	s29 =	sshra.s32 s15, $0x2;
	s15 =	sadd.s32 $0x40, s15;
	[tilespmem:s18+$0xFFFFFFC0] =	vst v0  }
0x63: {  	[tilespmem:s29+$0x8800] =	vst v0;
	s15 =	rddreg [dreg:$0x6]  }
0x64: {  	[spmem:s15] =	stream.linear.scatter [tilespmem:s26], [sflag:$0x6], $0x4000, $0x38;
	[tilespmem:$0x1FB80] =	vst v63  }
0x65: {  	s18 =	rddreg [dreg:$0x7]  }
0x66: {  	[spmem:s18] =	stream.linear.scatter [tilespmem:s28], [sflag:$0x8], $0x800, $0x38;
	[tilespmem:$0x1FB80] =	vst v63  }
0x67: {  	s18 =	rddreg [dreg:$0x8]  }
0x68: {  	[spmem:s18] =	stream.linear.scatter [tilespmem:s26], [sflag:$0x6], $0x4000, $0x38;
	[tilespmem:$0x1FB80] =	vst v63  }
0x69: {  	s18 =	rddreg [dreg:$0x9]  }
0x6a: {  	[spmem:s18] =	stream.linear.scatter [tilespmem:s28], [sflag:$0x8], $0x800, $0x38;
	[tilespmem:$0x1FB80] =	vst v63  }
0x6b: {  	s18 =	rddreg [dreg:$0xa]  }
0x6c: {  	[spmem:s18] =	stream.linear.scatter [tilespmem:s26], [sflag:$0x6], $0x4000, $0x38;
	[tilespmem:$0x1FB80] =	vst v63  }
0x6d: {  	s18 =	rddreg [dreg:$0xb]  }
0x6e: {  	[spmem:s18] =	stream.linear.scatter [tilespmem:s28], [sflag:$0x8], $0x800, $0x38;
	[tilespmem:$0x1FB80] =	vst v63  }
0x6f: {  	s18 =	rddreg [dreg:$0xc]  }
0x70: {  	[spmem:s18] =	stream.linear.scatter [tilespmem:s26], [sflag:$0x6], $0x4000, $0x38;
	[tilespmem:$0x1FB80] =	vst v63  }
0x71: {  	s18 =	rddreg [dreg:$0xd]  }
0x72: {  	[spmem:s18] =	stream.linear.scatter [tilespmem:s28], [sflag:$0x8], $0x800, $0x38;
	[tilespmem:$0x1FB80] =	vst v63  }
0x73: {  	s18 =	rddreg [dreg:$0xe]  }
0x74: {  	[spmem:s18] =	stream.linear.scatter [tilespmem:s26], [sflag:$0x6], $0x3C00, $0x38;
	[tilespmem:$0x1FB80] =	vst v63  }
0x75: {  	s18 =	rddreg [dreg:$0xf]  }
0x76: {  	[spmem:s18] =	stream.linear.scatter [tilespmem:s28], [sflag:$0x8], $0x780, $0x38;
	[tilespmem:$0x1FB80] =	vst v63  }
0x77: {  	s18 =	rddreg [dreg:$0x10]  }
0x78: {  	[tilespmem:s5], [sflag:$0x1] =	stream.linear.gather [hbm4b:s18+s5], $0x200, $0x38;
	[tilespmem:$0x1FB80] =	vst v63  }
0x79: {  	s29 =	simm.s32 $0x200;
	s18 =	rddreg [dreg:$0x12]  }
0x7a: {  	[tilespmem:s29], [sflag:$0x2] =	stream.linear.gather [hbm4b:s18+s5], $0x200, $0x38;
	[tilespmem:$0x1FB80] =	vst v63  }
0x7b: {  	_ =	swait.ge [sflag:s30], $0x4000  }
0x7c: {  	[sflag:s30] =	ssyncset.done $0x0  }
0x7d: {  	[sflag:s30] =	ssyncadd.s32 $0xFFFFC000  }
0x7e: {  	_ =	swait.ge [sflag:s31], $0x800  }
0x7f: {  	[sflag:s31] =	ssyncset.done $0x0  }
0x80: {  	[sflag:s31] =	ssyncadd.s32 $0xFFFFF800  }
0x81: {  	_ =	swait.ge [sflag:s30], $0x4000  }
0x82: {  	[sflag:s30] =	ssyncset.done $0x0  }
0x83: {  	[sflag:s30] =	ssyncadd.s32 $0xFFFFC000  }
0x84: {  	_ =	swait.ge [sflag:s31], $0x800  }
0x85: {  	[sflag:s31] =	ssyncset.done $0x0  }
0x86: {  	[sflag:s31] =	ssyncadd.s32 $0xFFFFF800  }
0x87: {  	_ =	swait.ge [sflag:s30], $0x4000  }
0x88: {  	[sflag:s30] =	ssyncset.done $0x0  }
0x89: {  	[sflag:s30] =	ssyncadd.s32 $0xFFFFC000  }
0x8a: {  	_ =	swait.ge [sflag:s31], $0x800  }
0x8b: {  	[sflag:s31] =	ssyncset.done $0x0  }
0x8c: {  	[sflag:s31] =	ssyncadd.s32 $0xFFFFF800  }
0x8d: {  	_ =	swait.ge [sflag:s30], $0x4000  }
0x8e: {  	[sflag:s30] =	ssyncset.done $0x0  }
0x8f: {  	[sflag:s30] =	ssyncadd.s32 $0xFFFFC000  }
0x90: {  	_ =	swait.ge [sflag:s31], $0x800  }
0x91: {  	[sflag:s31] =	ssyncset.done $0x0  }
0x92: {  	[sflag:s31] =	ssyncadd.s32 $0xFFFFF800  }
0x93: {  	_ =	swait.ge [sflag:s30], $0x3C00  }
0x94: {  	[sflag:s30] =	ssyncset.done $0x0  }
0x95: {  	[sflag:s30] =	ssyncadd.s32 $0xFFFFC400  }
0x96: {  	_ =	swait.ge [sflag:s31], $0x780  }
0x97: {  	[sflag:s31] =	ssyncset.done $0x0  }
0x98: {  	[sflag:s31] =	ssyncadd.s32 $0xFFFFF880  }
0x99: {  	_ =	swait.ge [sflag:s0], $0x200  }
0x9a: {  	[sflag:s0] =	ssyncset.done $0x0  }
0x9b: {  	[sflag:s0] =	ssyncadd.s32 $0xFFFFFE00  }
0x9c: {  	[tilespmem:s26], [sflag:$0x5] =	stream.indirect.gather [hbm4b:s1+s2], $0x80, s5, s2, $0xb8;
	[tilespmem:$0x1FB80] =	vst v63  }
0x9d: {  	s18 =	simm.s32 $0x100  }
0x9e: {  	[tilespmem:s28], [sflag:$0x7] =	stream.indirect.gather [hbm4b:s7+s2], $0x10, s18, s2, $0xb8;
	[tilespmem:$0x1FB80] =	vst v63  }
0x9f: {  	s18 =	simm.s32 $0x5;
	[bflag:$0x0] =	sbarrier.arrive $0xFFFF  }
.LBB2_4:
0xa0: {  	_ =	swait.ge [sflag:s13], $0x4000  }
0xa1: {  	[sflag:s13] =	ssyncset.done $0x0  }
0xa2: {  	[sflag:s13] =	ssyncadd.s32 $0xFFFFC000  }
0xa3: {  	_ =	swait.ge [sflag:s14], $0x800  }
0xa4: {  	[sflag:s14] =	ssyncset.done $0x0  }
0xa5: {  	[sflag:s14] =	ssyncadd.s32 $0xFFFFF800  }
0xa6: {  	[spmem:s3] =	stream.indirect.scatter.add.f32 [tilespmem:s26], [sflag:$0x9], $0x80, s2, s2, $0xb8;
	[tilespmem:$0x1FB80] =	vst v63  }
0xa7: {  	s15 =	simm.s32 $0x180  }
0xa8: {  	[spmem:s4] =	stream.indirect.scatter.add.f32 [tilespmem:s28], [sflag:$0xB], $0x10, s15, s2, $0xb8;
	[tilespmem:$0x1FB80] =	vst v63  }
0xa9: {  	_ =	swait.ge [sflag:s16], $0x200  }
0xaa: {  	p0 =	seq.s32 s18, $0x5;
	[sflag:s16] =	ssyncset.done $0x0  }
0xab: {  	s15 =	simm.s32 @!p0 $0xA;
	[sflag:s16] =	ssyncadd.s32 $0xFFFFFE00  }
0xac: {  	_ =	swait.ge @!p0 [sflag:s15], $0x4000  }
0xad: {  	[sflag:s15] =	ssyncset.done @!p0 $0x0  }
0xae: {  	[sflag:s15] =	ssyncadd.s32 @!p0 $0xFFFFC000;
	s15 =	simm.s32 @!p0 $0xC  }
0xaf: {  	_ =	swait.ge @!p0 [sflag:s15], $0x800  }
0xb0: {  	[sflag:s15] =	ssyncset.done @!p0 $0x0  }
0xb1: {  	[sflag:s15] =	ssyncadd.s32 @!p0 $0xFFFFF800  }
0xb2: {  	[tilespmem:s17], [sflag:$0x6] =	stream.indirect.gather [hbm4b:s1+s2], $0x80, s29, s2, $0xb8;
	[tilespmem:$0x1FB80] =	vst v63  }
0xb3: {  	s15 =	simm.s32 $0x300  }
0xb4: {  	[tilespmem:s19], [sflag:$0x8] =	stream.indirect.gather [hbm4b:s7+s2], $0x10, s15, s2, $0xb8;
	[tilespmem:$0x1FB80] =	vst v63  }
0xb5: {  	s15 =	sadd.s32 $0xFFFFFFFD, s18  }
0xb6: {  	p0 =	slt.u32 s15, s8;
	s15 =	smov.u32 s23  }
0xb7: {  	s15 =	smov.u32 @p0 s9  }
0xb8: {  	s15 =	sadd.s32 s18, s15  }
0xb9: {  	s15 =	sshll.u32 s15, $0x6  }
0xba: {  	s15 =	sadd.s32 $0xFFFFFF40, s15  }
0xbb: {  	s15 =	sand.u32 $0x1FFFFFC0, s15  }
0xbc: {  	s15 =	sadd.s32 s6, s15  }
0xbd: {  	[tilespmem:s21], [sflag:$0x3] =	stream.linear.gather [hbm4b:s15+s5], $0x200, $0x38;
	[tilespmem:$0x1FB80] =	vst v63  }
0xbe: {  	_ =	swait.ge [sflag:s30], $0x4000  }
0xbf: {  	[sflag:s30] =	ssyncset.done $0x0  }
0xc0: {  	[sflag:s30] =	ssyncadd.s32 $0xFFFFC000  }
0xc1: {  	_ =	swait.ge [sflag:s31], $0x800  }
0xc2: {  	[sflag:s31] =	ssyncset.done $0x0  }
0xc3: {  	s15 =	simm.s32 $0x280;
	[sflag:s31] =	ssyncadd.s32 $0xFFFFF800  }
0xc4: {  	[spmem:s3] =	stream.indirect.scatter.add.f32 [tilespmem:s17], [sflag:$0xA], $0x80, s15, s2, $0xb8;
	[tilespmem:$0x1FB80] =	vst v63  }
0xc5: {  	s15 =	simm.s32 $0x380  }
0xc6: {  	[spmem:s4] =	stream.indirect.scatter.add.f32 [tilespmem:s19], [sflag:$0xC], $0x10, s15, s2, $0xb8;
	[tilespmem:$0x1FB80] =	vst v63  }
0xc7: {  	_ =	swait.ge [sflag:s25], $0x200  }
0xc8: {  	[sflag:s25] =	ssyncset.done $0x0  }
0xc9: {  	[sflag:s25] =	ssyncadd.s32 $0xFFFFFE00  }
0xca: {  	_ =	swait.ge [sflag:s20], $0x4000  }
0xcb: {  	[sflag:s20] =	ssyncset.done $0x0  }
0xcc: {  	[sflag:s20] =	ssyncadd.s32 $0xFFFFC000  }
0xcd: {  	_ =	swait.ge [sflag:s10], $0x800  }
0xce: {  	[sflag:s10] =	ssyncset.done $0x0  }
0xcf: {  	[sflag:s10] =	ssyncadd.s32 $0xFFFFF800  }
0xd0: {  	[tilespmem:s26], [sflag:$0x5] =	stream.indirect.gather [hbm4b:s1+s2], $0x80, s21, s2, $0xb8;
	[tilespmem:$0x1FB80] =	vst v63  }
0xd1: {  	s15 =	simm.s32 $0x500  }
0xd2: {  	[tilespmem:s28], [sflag:$0x7] =	stream.indirect.gather [hbm4b:s7+s2], $0x10, s15, s2, $0xb8;
	[tilespmem:$0x1FB80] =	vst v63  }
0xd3: {  	s15 =	sadd.s32 $0xFFFFFFFE, s18  }
0xd4: {  	p0 =	slt.u32 s15, s8;
	s15 =	smov.u32 s23  }
0xd5: {  	s15 =	smov.u32 @p0 s9  }
0xd6: {  	s15 =	sadd.s32 s18, s15  }
0xd7: {  	s15 =	sshll.u32 s15, $0x6  }
0xd8: {  	s15 =	sadd.s32 $0xFFFFFF80, s15  }
0xd9: {  	s15 =	sand.u32 $0x1FFFFFC0, s15  }
0xda: {  	s15 =	sadd.s32 s6, s15  }
0xdb: {  	[tilespmem:s12], [sflag:$0x4] =	stream.linear.gather [hbm4b:s15+s5], $0x200, $0x38;
	[tilespmem:$0x1FB80] =	vst v63  }
0xdc: {  	_ =	swait.ge [sflag:s13], $0x4000  }
0xdd: {  	[sflag:s13] =	ssyncset.done $0x0  }
0xde: {  	[sflag:s13] =	ssyncadd.s32 $0xFFFFC000  }
0xdf: {  	_ =	swait.ge [sflag:s14], $0x800  }
0xe0: {  	[sflag:s14] =	ssyncset.done $0x0  }
0xe1: {  	s15 =	simm.s32 $0x480;
	[sflag:s14] =	ssyncadd.s32 $0xFFFFF800  }
0xe2: {  	[spmem:s3] =	stream.indirect.scatter.add.f32 [tilespmem:s26], [sflag:$0x9], $0x80, s15, s2, $0xb8;
	[tilespmem:$0x1FB80] =	vst v63  }
0xe3: {  	s15 =	simm.s32 $0x580  }
0xe4: {  	[spmem:s4] =	stream.indirect.scatter.add.f32 [tilespmem:s28], [sflag:$0xB], $0x10, s15, s2, $0xb8;
	[tilespmem:$0x1FB80] =	vst v63  }
0xe5: {  	_ =	swait.ge [sflag:s22], $0x200  }
0xe6: {  	[sflag:s22] =	ssyncset.done $0x0  }
0xe7: {  	[sflag:s22] =	ssyncadd.s32 $0xFFFFFE00  }
0xe8: {  	_ =	swait.ge [sflag:s24], $0x4000  }
0xe9: {  	[sflag:s24] =	ssyncset.done $0x0  }
0xea: {  	[sflag:s24] =	ssyncadd.s32 $0xFFFFC000  }
0xeb: {  	p0 =	seq.s32 s18, $0x51;
	_ =	swait.ge [sflag:s11], $0x800  }
.Ltmp3:
0xec: {  	[sflag:s11] =	ssyncset.done $0x0;
	(pc) =	sbr.rel @p0 .LBB2_6-.Ltmp3, $4  }
0xed: {  	[sflag:s11] =	ssyncadd.s32 $0xFFFFF800  }
0xee: {  	[tilespmem:s17], [sflag:$0x6] =	stream.indirect.gather [hbm4b:s1+s2], $0x80, s12, s2, $0xb8;
	[tilespmem:$0x1FB80] =	vst v63  }
0xef: {  	s15 =	simm.s32 $0x700  }
0xf0: {  	[tilespmem:s19], [sflag:$0x8] =	stream.indirect.gather [hbm4b:s7+s2], $0x10, s15, s2, $0xb8;
	[tilespmem:$0x1FB80] =	vst v63  }
0xf1: {  	s15 =	sadd.s32 $0xFFFFFFFF, s18  }
0xf2: {  	p0 =	slt.u32 s15, s8;
	s15 =	smov.u32 s23  }
0xf3: {  	s15 =	smov.u32 @p0 s9  }
0xf4: {  	s15 =	sadd.s32 s18, s15  }
0xf5: {  	s15 =	sshll.u32 s15, $0x6  }
0xf6: {  	s15 =	sadd.s32 $0xFFFFFFC0, s15  }
0xf7: {  	s15 =	sand.u32 $0x1FFFFFC0, s15  }
0xf8: {  	s15 =	sadd.s32 s6, s15  }
0xf9: {  	[tilespmem:s5], [sflag:$0x1] =	stream.linear.gather [hbm4b:s15+s5], $0x200, $0x38;
	[tilespmem:$0x1FB80] =	vst v63  }
0xfa: {  	_ =	swait.ge [sflag:s30], $0x4000  }
0xfb: {  	[sflag:s30] =	ssyncset.done $0x0  }
0xfc: {  	[sflag:s30] =	ssyncadd.s32 $0xFFFFC000  }
0xfd: {  	_ =	swait.ge [sflag:s31], $0x800  }
0xfe: {  	[sflag:s31] =	ssyncset.done $0x0  }
0xff: {  	s15 =	simm.s32 $0x680;
	[sflag:s31] =	ssyncadd.s32 $0xFFFFF800  }
0x100: {  	[spmem:s3] =	stream.indirect.scatter.add.f32 [tilespmem:s17], [sflag:$0xA], $0x80, s15, s2, $0xb8;
	[tilespmem:$0x1FB80] =	vst v63  }
0x101: {  	s15 =	simm.s32 $0x780  }
0x102: {  	[spmem:s4] =	stream.indirect.scatter.add.f32 [tilespmem:s19], [sflag:$0xC], $0x10, s15, s2, $0xb8;
	[tilespmem:$0x1FB80] =	vst v63  }
0x103: {  	_ =	swait.ge [sflag:s0], $0x200  }
0x104: {  	[sflag:s0] =	ssyncset.done $0x0  }
0x105: {  	[sflag:s0] =	ssyncadd.s32 $0xFFFFFE00  }
0x106: {  	_ =	swait.ge [sflag:s20], $0x4000  }
0x107: {  	[sflag:s20] =	ssyncset.done $0x0  }
0x108: {  	[sflag:s20] =	ssyncadd.s32 $0xFFFFC000  }
0x109: {  	_ =	swait.ge [sflag:s10], $0x800  }
0x10a: {  	[sflag:s10] =	ssyncset.done $0x0  }
0x10b: {  	[sflag:s10] =	ssyncadd.s32 $0xFFFFF800  }
0x10c: {  	[tilespmem:s26], [sflag:$0x5] =	stream.indirect.gather [hbm4b:s1+s2], $0x80, s5, s2, $0xb8;
	[tilespmem:$0x1FB80] =	vst v63  }
0x10d: {  	s15 =	simm.s32 $0x100  }
0x10e: {  	[tilespmem:s28], [sflag:$0x7] =	stream.indirect.gather [hbm4b:s7+s2], $0x10, s15, s2, $0xb8;
	[tilespmem:$0x1FB80] =	vst v63  }
0x10f: {  	p0 =	slt.u32 s18, s8;
	s15 =	smov.u32 s23  }
0x110: {  	s15 =	smov.u32 @p0 s9  }
.Ltmp4:
0x111: {  	s15 =	sadd.s32 s18, s15;
	(pc) =	sbr.rel .LBB2_4-.Ltmp4, $4  }
0x112: {  	s15 =	sshll.u32 s15, $0x6  }
0x113: {  	s15 =	sand.u32 $0x1FFFFFC0, s15  }
0x114: {  	s18 =	sadd.s32 $0x4, s18;
	s15 =	sadd.s32 s6, s15  }
0x115: {  	[tilespmem:s29], [sflag:$0x2] =	stream.linear.gather [hbm4b:s15+s5], $0x200, $0x38;
	[tilespmem:$0x1FB80] =	vst v63  }
.LBB2_7:
0x116: {  	_ =	sfence.sel $0x180000  }
0x117: {  	[bflag:$0x0] =	sbarrier.arrive $0xFFFF  }
0x118: {  	_ =	strace $0x90000047  }
0x119: {  	s0 =	stileid.u32;
	[bflag:$0x2] =	sbarrier.arrive $0xFFFF  }
0x11a: {  	p0 =	sne.s32 s0, $0x0;
	s0 =	rddreg [dreg:$0x5]  }
0x11b: {  	s0 =	sadd.s32 @!p0 $0x100000, s0  }
0x11c: {  	[sflag:s0] =	ssyncadd.tile.s32 @!p0 $0x1;
	_ =	shalt  }
.Lfunc_end2:
_tile_overlayer_lowered:
.L_overlay_start_2:
0x11d: {  	(tag) =	ssettag $0x2  }
0x11e: {  	s0 =	rddreg [dreg:$0x0];
	s2 =	stileid.u32  }
0x11f: {  	s1 =	rddreg [dreg:$0x1];
	p0 =	sne.s32 s2, $0x0  }
0x120: {  	s3 =	rddreg [dreg:$0x2];
	[bflag:$0x3] =	sbarrier.arrive $0xFFFF;
	s2 =	simm.s32 @!p0 $0x1C0D  }
0x121: {  	[timem:s3], [sflag:s2] =	dma.local @!p0 [hbm:s0], s1  }
0x122: {  	s0 =	simm.s32 @!p0 $0xD  }
0x123: {  	_ =	swait.ge @!p0 [sflag:s0], s1  }
0x124: {  	s1 =	ssub.s32 @!p0 $0x0, s1;
	[sflag:s0] =	ssyncset.done @!p0 $0x0  }
0x125: {  	[sflag:s0] =	ssyncadd.s32 @!p0 s1  }
0x126: {  	[bflag:$0x3] =	sbarrier.arrive $0xFFFF  }
0x127: {  	_ =	shalt  }

</sc_bundles>
